<compile_context>
chip_gen: v7x
topology: tpu7x:2x2x1
jax: 0.10.2.dev20260603
libtpu: 0.0.44.dev20260713+nightly
codegen_flags: <defaults>
</compile_context>

<pallas_src>
import functools

import jax
import jax.numpy as jnp
import numpy as np
from jax import lax
from jax.experimental import pallas as pl
from jax.experimental.pallas import tpu as pltpu
from jax.experimental.pallas import tpu_sc as plsc

N = 10000
E = 320000
F = 64
NC = 2
NS = 16
NW = NC * NS
K = 128
NCH = 80
EPW = K * NCH
E_PAD = NW * EPW
ACC_N = 10240
RPT = ACC_N // NS

_MESH = plsc.VectorSubcoreMesh(core_axis_name="c", subcore_axis_name="s")
_SC_PARAMS = pltpu.CompilerParams(use_tc_tiling_on_sc=False)


@functools.partial(
    pl.kernel,
    out_type=jax.ShapeDtypeStruct((NC, ACC_N, 16), jnp.float32),
    mesh=_MESH,
    compiler_params=_SC_PARAMS,
    scratch_types=[
        pltpu.VMEM((NCH, K), jnp.int32),
        pltpu.VMEM((K, 16), jnp.float32),
        pltpu.VMEM((RPT, 16), jnp.float32),
        pltpu.VMEM_SHARED((ACC_N, 16), jnp.float32),
    ],
)
def _deg_kernel(dst_hbm, out_hbm, dst_v, ones_v, buf_v, acc_sh):
    cid = lax.axis_index("c")
    sid = lax.axis_index("s")
    wid = cid * NS + sid
    ones16 = jnp.ones((16,), jnp.float32)
    zero16 = jnp.zeros((16,), jnp.float32)

    def fill(j, carry):
        ones_v[j, :] = ones16
        return carry

    lax.fori_loop(0, K, fill, 0)

    def zfill(j, carry):
        buf_v[j, :] = zero16
        return carry

    lax.fori_loop(0, RPT, zfill, 0)
    pltpu.sync_copy(buf_v, acc_sh.at[pl.ds(sid * RPT, RPT)])
    plsc.subcore_barrier()

    pltpu.sync_copy(dst_hbm.at[wid], dst_v)

    def body(j, carry):
        pltpu.sync_copy(ones_v, acc_sh.at[dst_v.at[j]], add=True)
        return carry

    lax.fori_loop(0, NCH, body, 0)
    plsc.subcore_barrier()
    pltpu.sync_copy(acc_sh.at[pl.ds(sid * RPT, RPT)], buf_v)
    pltpu.sync_copy(buf_v, out_hbm.at[cid, pl.ds(sid * RPT, RPT)])


@functools.partial(
    pl.kernel,
    out_type=jax.ShapeDtypeStruct((NC, ACC_N, F), jnp.float32),
    mesh=_MESH,
    compiler_params=_SC_PARAMS,
    scratch_types=[
        pltpu.VMEM((NCH, K), jnp.int32),
        pltpu.VMEM((NCH, K), jnp.int32),
        pltpu.VMEM((K, F), jnp.float32),
        pltpu.VMEM((K, F), jnp.float32),
        pltpu.VMEM((RPT, F), jnp.float32),
        pltpu.VMEM_SHARED((ACC_N, F), jnp.float32),
        pltpu.SemaphoreType.DMA,
        pltpu.SemaphoreType.DMA,
    ],
)
def _segsum_kernel(tab_hbm, src_hbm, dst_hbm, out_hbm,
                   src_v, dst_v, ra, rb, buf_v, acc_sh, sem_a, sem_b):
    cid = lax.axis_index("c")
    sid = lax.axis_index("s")
    wid = cid * NS + sid
    zero16 = jnp.zeros((16,), jnp.float32)

    def zfill(j, carry):
        for c in range(F // 16):
            buf_v[j, pl.ds(c * 16, 16)] = zero16
        return carry

    lax.fori_loop(0, RPT, zfill, 0)
    pltpu.sync_copy(buf_v, acc_sh.at[pl.ds(sid * RPT, RPT)])
    plsc.subcore_barrier()

    pltpu.sync_copy(src_hbm.at[wid], src_v)
    pltpu.sync_copy(dst_hbm.at[wid], dst_v)

    pltpu.async_copy(tab_hbm.at[src_v.at[0]], ra, sem_a)

    def body(jj, carry):
        j = jj * 2
        pltpu.make_async_copy(tab_hbm.at[src_v.at[j]], ra, sem_a).wait()
        pltpu.async_copy(tab_hbm.at[src_v.at[j + 1]], rb, sem_b)
        pltpu.sync_copy(ra, acc_sh.at[dst_v.at[j]], add=True)
        pltpu.make_async_copy(tab_hbm.at[src_v.at[j + 1]], rb, sem_b).wait()

        @pl.when(jj * 2 + 2 < NCH)
        def _():
            pltpu.async_copy(tab_hbm.at[src_v.at[j + 2]], ra, sem_a)

        pltpu.sync_copy(rb, acc_sh.at[dst_v.at[j + 1]], add=True)
        return carry

    lax.fori_loop(0, NCH // 2, body, 0)
    plsc.subcore_barrier()
    pltpu.sync_copy(acc_sh.at[pl.ds(sid * RPT, RPT)], buf_v)
    pltpu.sync_copy(buf_v, out_hbm.at[cid, pl.ds(sid * RPT, RPT)])


R = 1000
GRID = N // R


def _full(shape):
    return pl.BlockSpec(shape, lambda i: (0,) * len(shape))


def _enc_body(x_ref, w1_ref, s1_ref, t1_ref, w2_ref, s2_ref, t2_ref, o_ref):
    h0 = jnp.dot(x_ref[...], w1_ref[...], preferred_element_type=jnp.float32)
    h0 = jnp.maximum(h0 * s1_ref[...] + t1_ref[...], 0.0)
    h1 = jnp.dot(h0, w2_ref[...], preferred_element_type=jnp.float32)
    o_ref[...] = jnp.maximum(h1 * s2_ref[...] + t2_ref[...], 0.0)


def _encoder(x, w1, s1, t1, w2, s2, t2):
    return pl.pallas_call(
        _enc_body,
        grid=(GRID,),
        in_specs=[
            pl.BlockSpec((R, 128), lambda i: (i, 0)),
            _full((128, F)), _full((1, F)), _full((1, F)),
            _full((F, F)), _full((1, F)), _full((1, F)),
        ],
        out_specs=pl.BlockSpec((R, F), lambda i: (i, 0)),
        out_shape=jax.ShapeDtypeStruct((N, F), jnp.float32),
    )(x, w1, s1, t1, w2, s2, t2)


def _dinv_from(degp_ref):
    deg = degp_ref[0] + degp_ref[1] + 1.0
    return lax.rsqrt(deg)[:, 0:1]


def _scale_body(h_ref, w_ref, degp_ref, o_ref):
    hw = jnp.dot(h_ref[...], w_ref[...], preferred_element_type=jnp.float32)
    o_ref[...] = hw * _dinv_from(degp_ref)


def _scale_table(h, w, degp):
    return pl.pallas_call(
        _scale_body,
        grid=(GRID,),
        in_specs=[
            pl.BlockSpec((R, F), lambda i: (i, 0)),
            _full((F, F)),
            pl.BlockSpec((NC, R, 16), lambda i: (0, i, 0)),
        ],
        out_specs=pl.BlockSpec((R, F), lambda i: (i, 0)),
        out_shape=jax.ShapeDtypeStruct((N, F), jnp.float32),
    )(h, w, degp)


def _mid_body(p_ref, tab_ref, degp_ref, b_ref, w_ref, o_ref):
    dinv = _dinv_from(degp_ref)
    agg = p_ref[0] + p_ref[1] + tab_ref[...]
    h2 = jnp.maximum(agg * dinv + b_ref[...], 0.0)
    hw = jnp.dot(h2, w_ref[...], preferred_element_type=jnp.float32)
    o_ref[...] = hw * dinv


def _mid_layer(partials, tab, degp, b, w):
    return pl.pallas_call(
        _mid_body,
        grid=(GRID,),
        in_specs=[
            pl.BlockSpec((NC, R, F), lambda i: (0, i, 0)),
            pl.BlockSpec((R, F), lambda i: (i, 0)),
            pl.BlockSpec((NC, R, 16), lambda i: (0, i, 0)),
            _full((1, F)),
            _full((F, F)),
        ],
        out_specs=pl.BlockSpec((R, F), lambda i: (i, 0)),
        out_shape=jax.ShapeDtypeStruct((N, F), jnp.float32),
    )(partials, tab, degp, b, w)


def _final_body(p_ref, tab_ref, degp_ref, b_ref, o_ref):
    dinv = _dinv_from(degp_ref)
    agg = p_ref[0] + p_ref[1] + tab_ref[...]
    o_ref[...] = jnp.maximum(agg * dinv + b_ref[...], 0.0)


def _final_layer(partials, tab, degp, b):
    return pl.pallas_call(
        _final_body,
        grid=(GRID,),
        in_specs=[
            pl.BlockSpec((NC, R, F), lambda i: (0, i, 0)),
            pl.BlockSpec((R, F), lambda i: (i, 0)),
            pl.BlockSpec((NC, R, 16), lambda i: (0, i, 0)),
            _full((1, F)),
        ],
        out_specs=pl.BlockSpec((R, F), lambda i: (i, 0)),
        out_shape=jax.ShapeDtypeStruct((N, F), jnp.float32),
    )(partials, tab, degp, b)


def kernel(x, edge_index, enc_W1, enc_b1, enc_g1, enc_be1,
           enc_W2, enc_b2, enc_g2, enc_be2, gcn_W1, gcn_b1, gcn_W2, gcn_b2):
    src, dst = edge_index[0], edge_index[1]
    pad = E_PAD - E
    src_p = jnp.concatenate([src, jnp.zeros((pad,), jnp.int32)]).reshape(NW, NCH, K)
    dst_p = jnp.concatenate([dst, jnp.full((pad,), N, jnp.int32)]).reshape(NW, NCH, K)

    bnc = np.float32(1.0 / np.sqrt(1.0 + 1e-5))
    s1 = (enc_g1 * bnc).reshape(1, F)
    t1 = (enc_b1 * s1[0] + enc_be1).reshape(1, F)
    s2 = (enc_g2 * bnc).reshape(1, F)
    t2 = (enc_b2 * s2[0] + enc_be2).reshape(1, F)
    b1 = gcn_b1.reshape(1, F)
    b2 = gcn_b2.reshape(1, F)

    degp = _deg_kernel(dst_p)
    h = _encoder(x, enc_W1, s1, t1, enc_W2, s2, t2)

    hws1 = _scale_table(h, gcn_W1, degp)
    p1 = _segsum_kernel(hws1, src_p, dst_p)
    hws2 = _mid_layer(p1, hws1, degp, b1, gcn_W2)
    p2 = _segsum_kernel(hws2, src_p, dst_p)
    return _final_layer(p2, hws2, degp, b2)

# --- scband reference (transcript-rebuilt; emitter-appended) ---
"""Pipeline reference for scband-gcnlink-predictor-62989990363161 (READ-ONLY COPY).

The authoritative reference and input builder live on the scoring server;
editing this copy changes nothing except your own understanding.
"""

import jax, jax.numpy as jnp
import numpy as np

N_NODES = 10000
N_EDGES = 320000
IN_DIM = 128
HID = 64


def _bn_eval(x, gamma, beta):
    # BatchNorm1d in eval mode with running_mean=0, running_var=1
    return x / jnp.sqrt(1.0 + 1e-5) * gamma + beta


def _gcn_conv(h, W, b, src, dst, n):
    # PyG GCNConv: add self-loops, symmetric normalization D^-1/2 (A+I) D^-1/2
    loop = jnp.arange(n, dtype=src.dtype)
    s = jnp.concatenate([src, loop])
    d = jnp.concatenate([dst, loop])
    deg = jnp.zeros((n,), h.dtype).at[d].add(1.0)
    dinv = jnp.where(deg > 0, 1.0 / jnp.sqrt(deg), 0.0)
    norm = dinv[s] * dinv[d]
    hW = h @ W
    msg = hW[s] * norm[:, None]
    out = jnp.zeros((n, W.shape[1]), h.dtype).at[d].add(msg)
    return out + b


def setup_inputs(seed: int = 0):
    key = jax.random.key(seed)
    ks = [jax.random.fold_in(key, i) for i in range(16)]
    x = jax.random.normal(ks[0], (N_NODES, IN_DIM), jnp.float32)
    edge_index = jax.random.randint(ks[1], (2, N_EDGES), 0, N_NODES, jnp.int32)
    def lin(k, fan_in, fan_out):
        return jax.random.normal(k, (fan_in, fan_out), jnp.float32) * (1.0 / np.sqrt(fan_in))
    inp = {
        'x': x,
        'edge_index': edge_index,
        'enc_W1': lin(ks[2], IN_DIM, HID), 'enc_b1': jnp.zeros((HID,), jnp.float32),
        'enc_g1': jnp.ones((HID,), jnp.float32), 'enc_be1': jnp.zeros((HID,), jnp.float32),
        'enc_W2': lin(ks[3], HID, HID), 'enc_b2': jnp.zeros((HID,), jnp.float32),
        'enc_g2': jnp.ones((HID,), jnp.float32), 'enc_be2': jnp.zeros((HID,), jnp.float32),
        'gcn_W1': lin(ks[4], HID, HID), 'gcn_b1': jnp.zeros((HID,), jnp.float32),
        'gcn_W2': lin(ks[5], HID, HID), 'gcn_b2': jnp.zeros((HID,), jnp.float32),
    }
    return inp


def reference(x, edge_index, enc_W1, enc_b1, enc_g1, enc_be1, enc_W2, enc_b2, enc_g2, enc_be2, gcn_W1, gcn_b1, gcn_W2, gcn_b2):
    src, dst = edge_index[0], edge_index[1]
    # encoder MLP (dropout = identity in eval)
    h = jax.nn.relu(_bn_eval(x @ enc_W1 + enc_b1, enc_g1, enc_be1))
    h = jax.nn.relu(_bn_eval(h @ enc_W2 + enc_b2, enc_g2, enc_be2))
    # GCN layer 1 + relu (+ dropout identity)
    h = jax.nn.relu(_gcn_conv(h, gcn_W1, gcn_b1, src, dst, N_NODES))
    # GCN layer 2 + relu
    h = jax.nn.relu(_gcn_conv(h, gcn_W2, gcn_b2, src, dst, N_NODES))
    return h

if __name__ == "__main__":
    import jax
    _d = setup_inputs()
    print(jax.jit(kernel)(*tuple(_d.values())))

</pallas_src>

<mosaic_0001>
#map = affine_map<(d0, d1) -> (0, 0)>
#map1 = affine_map<(d0, d1) -> (0, 0, 0)>
module attributes {stable_mosaic.version = 14 : i64} {
  func.func @_segsum_kernel(%arg0: i32, %arg1: i32, %arg2: memref<10000x64xf32, #tpu.memory_space<hbm>>, %arg3: memref<32x80x128xi32, #tpu.memory_space<hbm>>, %arg4: memref<32x80x128xi32, #tpu.memory_space<hbm>>, %arg5: memref<2x10240x64xf32, #tpu.memory_space<hbm>>, %arg6: memref<80x128xi32, #tpu.memory_space<vmem>>, %arg7: memref<80x128xi32, #tpu.memory_space<vmem>>, %arg8: memref<128x64xf32, #tpu.memory_space<vmem>>, %arg9: memref<128x64xf32, #tpu.memory_space<vmem>>, %arg10: memref<640x64xf32, #tpu.memory_space<vmem>>, %arg11: memref<10240x64xf32, #tpu.memory_space<vmem_shared>>, %arg12: memref<!tpu.dma_semaphore, #tpu.memory_space<semaphore_mem>>, %arg13: memref<!tpu.dma_semaphore, #tpu.memory_space<semaphore_mem>>) attributes {dimension_semantics = [#tpu.dimension_semantics<core_parallel>, #tpu.dimension_semantics<subcore_parallel>], iteration_bounds = array<i64: 2, 16>, scalar_prefetch = 0 : i64, scratch_operands = 8 : i64, tpu.core_type = #tpu.core_type<sc_vector_subcore>, window_params = [{transform_indices = #map}, {transform_indices = #map1}, {transform_indices = #map1}, {transform_indices = #map1}]} {
    %mul3A = arith.constant 16 : i32
    %mul3A_0 = arith.muli %arg0, %mul3A : i32
    %add3A = arith.addi %mul3A_0, %arg1 : i32
    %broadcast_in_dim3A = arith.constant 0.000000e+00 : f32
    %broadcast_in_dim3A_1 = vector.broadcast %broadcast_in_dim3A : f32 to vector<16xf32>
    %scan3A = arith.constant 0 : i32
    %scan3A_2 = arith.constant 0 : i32
    %scan3A_3 = arith.constant 640 : i32
    %scan3A_4 = arith.addi %scan3A_2, %scan3A_3 : i32
    %scan3A_5 = arith.constant 1 : i32
    scf.for %scan3A_26 = %scan3A_2 to %scan3A_4 step %scan3A_5  : i32 {
      %swap3A = arith.index_cast %scan3A_26 : i32 to index
      %swap3A_27 = arith.constant 0 : index
      %swap3A_28 = tpu.vector_load %arg10[%swap3A, %swap3A_27] {strides = array<i32>} : memref<640x64xf32, #tpu.memory_space<vmem>>, vector<1x16xf32>,
      %swap3A_29 = vector.shape_cast %swap3A_28 : vector<1x16xf32> to vector<16xf32>
      %swap3A_30 = vector.shape_cast %broadcast_in_dim3A_1 : vector<16xf32> to vector<1x16xf32>
      tpu.vector_store %arg10[%swap3A, %swap3A_27], %swap3A_30 {strides = array<i32>} : memref<640x64xf32, #tpu.memory_space<vmem>>, vector<1x16xf32>,
      %swap3A_31 = arith.index_cast %scan3A_26 : i32 to index
      %swap3A_32 = arith.constant 16 : index
      %swap3A_33 = tpu.vector_load %arg10[%swap3A_31, %swap3A_32] {strides = array<i32>} : memref<640x64xf32, #tpu.memory_space<vmem>>, vector<1x16xf32>,
      %swap3A_34 = vector.shape_cast %swap3A_33 : vector<1x16xf32> to vector<16xf32>
      %swap3A_35 = vector.shape_cast %broadcast_in_dim3A_1 : vector<16xf32> to vector<1x16xf32>
      tpu.vector_store %arg10[%swap3A_31, %swap3A_32], %swap3A_35 {strides = array<i32>} : memref<640x64xf32, #tpu.memory_space<vmem>>, vector<1x16xf32>,
      %swap3A_36 = arith.index_cast %scan3A_26 : i32 to index
      %swap3A_37 = arith.constant 32 : index
      %swap3A_38 = tpu.vector_load %arg10[%swap3A_36, %swap3A_37] {strides = array<i32>} : memref<640x64xf32, #tpu.memory_space<vmem>>, vector<1x16xf32>,
      %swap3A_39 = vector.shape_cast %swap3A_38 : vector<1x16xf32> to vector<16xf32>
      %swap3A_40 = vector.shape_cast %broadcast_in_dim3A_1 : vector<16xf32> to vector<1x16xf32>
      tpu.vector_store %arg10[%swap3A_36, %swap3A_37], %swap3A_40 {strides = array<i32>} : memref<640x64xf32, #tpu.memory_space<vmem>>, vector<1x16xf32>,
      %swap3A_41 = arith.index_cast %scan3A_26 : i32 to index
      %swap3A_42 = arith.constant 48 : index
      %swap3A_43 = tpu.vector_load %arg10[%swap3A_41, %swap3A_42] {strides = array<i32>} : memref<640x64xf32, #tpu.memory_space<vmem>>, vector<1x16xf32>,
      %swap3A_44 = vector.shape_cast %swap3A_43 : vector<1x16xf32> to vector<16xf32>
      %swap3A_45 = vector.shape_cast %broadcast_in_dim3A_1 : vector<16xf32> to vector<1x16xf32>
      tpu.vector_store %arg10[%swap3A_41, %swap3A_42], %swap3A_45 {strides = array<i32>} : memref<640x64xf32, #tpu.memory_space<vmem>>, vector<1x16xf32>,
    }
    %scan3A_6 = arith.constant 640 : i32
    %mul3A_7 = arith.constant 640 : i32
    %mul3A_8 = arith.muli %arg1, %mul3A_7 : i32
    "tpu.region"() ({
      %run_scoped3A = tpu.sem_alloc : memref<!tpu.dma_semaphore, #tpu.memory_space<semaphore_mem>>
      %dma_start3A_26 = arith.constant 0 : i32
      %dma_start3A_27 = tpu.memref_slice %arg11[%mul3A_8, %dma_start3A_26] : memref<10240x64xf32, #tpu.memory_space<vmem_shared>> -> memref<640x64xf32, #tpu.memory_space<vmem_shared>>
      %dma_start3A_28 = arith.constant 0 : i32
      %dma_start3A_29 = tpu.memref_slice %arg11[%mul3A_8, %dma_start3A_28] : memref<10240x64xf32, #tpu.memory_space<vmem_shared>> -> memref<640x64xf32, #tpu.memory_space<vmem_shared>>
      tpu.enqueue_dma source(%arg10 : memref<640x64xf32, #tpu.memory_space<vmem>>) target(%dma_start3A_29 : memref<640x64xf32, #tpu.memory_space<vmem_shared>>) target_semaphore(%run_scoped3A : memref<!tpu.dma_semaphore, #tpu.memory_space<semaphore_mem>>)
      %dma_wait3A = arith.constant 0 : i32
      %dma_wait3A_30 = tpu.memref_slice %arg11[%mul3A_8, %dma_wait3A] : memref<10240x64xf32, #tpu.memory_space<vmem_shared>> -> memref<640x64xf32, #tpu.memory_space<vmem_shared>>
      %dma_wait3A_31 = arith.constant 0 : i32
      %dma_wait3A_32 = tpu.memref_slice %arg11[%mul3A_8, %dma_wait3A_31] : memref<10240x64xf32, #tpu.memory_space<vmem_shared>> -> memref<640x64xf32, #tpu.memory_space<vmem_shared>>
      tpu.wait_dma2 semaphore(%run_scoped3A : memref<!tpu.dma_semaphore, #tpu.memory_space<semaphore_mem>>) src(%arg10 : memref<640x64xf32, #tpu.memory_space<vmem>>) dst(%dma_wait3A_32 : memref<640x64xf32, #tpu.memory_space<vmem_shared>>)
      tpu.yield
    }) : () -> ()
    %barrier3A = arith.constant 0 : index
    tpu.barrier barrier_id(%barrier3A)
    "tpu.region"() ({
      %run_scoped3A = tpu.sem_alloc : memref<!tpu.dma_semaphore, #tpu.memory_space<semaphore_mem>>
      %dma_start3A_26 = arith.constant 0 : i32
      %dma_start3A_27 = arith.constant 0 : i32
      %dma_start3A_28 = tpu.memref_slice %arg3[%add3A, %dma_start3A_26, %dma_start3A_27] : memref<32x80x128xi32, #tpu.memory_space<hbm>> -> memref<1x80x128xi32, #tpu.memory_space<hbm>>
      %dma_start3A_29 = tpu.memref_squeeze %dma_start3A_28 : memref<1x80x128xi32, #tpu.memory_space<hbm>> -> memref<80x128xi32, #tpu.memory_space<hbm>>
      %dma_start3A_30 = arith.constant 0 : i32
      %dma_start3A_31 = arith.constant 0 : i32
      %dma_start3A_32 = tpu.memref_slice %arg3[%add3A, %dma_start3A_30, %dma_start3A_31] : memref<32x80x128xi32, #tpu.memory_space<hbm>> -> memref<1x80x128xi32, #tpu.memory_space<hbm>>
      %dma_start3A_33 = tpu.memref_squeeze %dma_start3A_32 : memref<1x80x128xi32, #tpu.memory_space<hbm>> -> memref<80x128xi32, #tpu.memory_space<hbm>>
      tpu.enqueue_dma source(%dma_start3A_33 : memref<80x128xi32, #tpu.memory_space<hbm>>) target(%arg6 : memref<80x128xi32, #tpu.memory_space<vmem>>) target_semaphore(%run_scoped3A : memref<!tpu.dma_semaphore, #tpu.memory_space<semaphore_mem>>)
      %dma_wait3A = arith.constant 0 : i32
      %dma_wait3A_34 = arith.constant 0 : i32
      %dma_wait3A_35 = tpu.memref_slice %arg3[%add3A, %dma_wait3A, %dma_wait3A_34] : memref<32x80x128xi32, #tpu.memory_space<hbm>> -> memref<1x80x128xi32, #tpu.memory_space<hbm>>
      %dma_wait3A_36 = tpu.memref_squeeze %dma_wait3A_35 : memref<1x80x128xi32, #tpu.memory_space<hbm>> -> memref<80x128xi32, #tpu.memory_space<hbm>>
      %dma_wait3A_37 = arith.constant 0 : i32
      %dma_wait3A_38 = arith.constant 0 : i32
      %dma_wait3A_39 = tpu.memref_slice %arg3[%add3A, %dma_wait3A_37, %dma_wait3A_38] : memref<32x80x128xi32, #tpu.memory_space<hbm>> -> memref<1x80x128xi32, #tpu.memory_space<hbm>>
      %dma_wait3A_40 = tpu.memref_squeeze %dma_wait3A_39 : memref<1x80x128xi32, #tpu.memory_space<hbm>> -> memref<80x128xi32, #tpu.memory_space<hbm>>
      tpu.wait_dma2 semaphore(%run_scoped3A : memref<!tpu.dma_semaphore, #tpu.memory_space<semaphore_mem>>) src(%dma_wait3A_40 : memref<80x128xi32, #tpu.memory_space<hbm>>) dst(%arg6 : memref<80x128xi32, #tpu.memory_space<vmem>>)
      tpu.yield
    }) : () -> ()
    "tpu.region"() ({
      %run_scoped3A = tpu.sem_alloc : memref<!tpu.dma_semaphore, #tpu.memory_space<semaphore_mem>>
      %dma_start3A_26 = arith.constant 0 : i32
      %dma_start3A_27 = arith.constant 0 : i32
      %dma_start3A_28 = tpu.memref_slice %arg4[%add3A, %dma_start3A_26, %dma_start3A_27] : memref<32x80x128xi32, #tpu.memory_space<hbm>> -> memref<1x80x128xi32, #tpu.memory_space<hbm>>
      %dma_start3A_29 = tpu.memref_squeeze %dma_start3A_28 : memref<1x80x128xi32, #tpu.memory_space<hbm>> -> memref<80x128xi32, #tpu.memory_space<hbm>>
      %dma_start3A_30 = arith.constant 0 : i32
      %dma_start3A_31 = arith.constant 0 : i32
      %dma_start3A_32 = tpu.memref_slice %arg4[%add3A, %dma_start3A_30, %dma_start3A_31] : memref<32x80x128xi32, #tpu.memory_space<hbm>> -> memref<1x80x128xi32, #tpu.memory_space<hbm>>
      %dma_start3A_33 = tpu.memref_squeeze %dma_start3A_32 : memref<1x80x128xi32, #tpu.memory_space<hbm>> -> memref<80x128xi32, #tpu.memory_space<hbm>>
      tpu.enqueue_dma source(%dma_start3A_33 : memref<80x128xi32, #tpu.memory_space<hbm>>) target(%arg7 : memref<80x128xi32, #tpu.memory_space<vmem>>) target_semaphore(%run_scoped3A : memref<!tpu.dma_semaphore, #tpu.memory_space<semaphore_mem>>)
      %dma_wait3A = arith.constant 0 : i32
      %dma_wait3A_34 = arith.constant 0 : i32
      %dma_wait3A_35 = tpu.memref_slice %arg4[%add3A, %dma_wait3A, %dma_wait3A_34] : memref<32x80x128xi32, #tpu.memory_space<hbm>> -> memref<1x80x128xi32, #tpu.memory_space<hbm>>
      %dma_wait3A_36 = tpu.memref_squeeze %dma_wait3A_35 : memref<1x80x128xi32, #tpu.memory_space<hbm>> -> memref<80x128xi32, #tpu.memory_space<hbm>>
      %dma_wait3A_37 = arith.constant 0 : i32
      %dma_wait3A_38 = arith.constant 0 : i32
      %dma_wait3A_39 = tpu.memref_slice %arg4[%add3A, %dma_wait3A_37, %dma_wait3A_38] : memref<32x80x128xi32, #tpu.memory_space<hbm>> -> memref<1x80x128xi32, #tpu.memory_space<hbm>>
      %dma_wait3A_40 = tpu.memref_squeeze %dma_wait3A_39 : memref<1x80x128xi32, #tpu.memory_space<hbm>> -> memref<80x128xi32, #tpu.memory_space<hbm>>
      tpu.wait_dma2 semaphore(%run_scoped3A : memref<!tpu.dma_semaphore, #tpu.memory_space<semaphore_mem>>) src(%dma_wait3A_40 : memref<80x128xi32, #tpu.memory_space<hbm>>) dst(%arg7 : memref<80x128xi32, #tpu.memory_space<vmem>>)
      tpu.yield
    }) : () -> ()
    %dma_start3A = arith.constant 0 : i32
    %dma_start3A_9 = arith.constant 0 : i32
    %dma_start3A_10 = tpu.memref_slice %arg6[%dma_start3A, %dma_start3A_9] : memref<80x128xi32, #tpu.memory_space<vmem>> -> memref<1x128xi32, #tpu.memory_space<vmem>>
    %dma_start3A_11 = tpu.memref_squeeze %dma_start3A_10 : memref<1x128xi32, #tpu.memory_space<vmem>> -> memref<128xi32, #tpu.memory_space<vmem>>
    %dma_start3A_12 = arith.constant 0 : i32
    %dma_start3A_13 = arith.constant 0 : i32
    %dma_start3A_14 = tpu.memref_slice %arg2[%dma_start3A_12, %dma_start3A_13] : memref<10000x64xf32, #tpu.memory_space<hbm>> -> memref<10000x64xf32, #tpu.memory_space<hbm>>
    tpu.enqueue_indirect_dma source(%dma_start3A_14 : memref<10000x64xf32, #tpu.memory_space<hbm>>) target(%arg8 : memref<128x64xf32, #tpu.memory_space<vmem>>) offsets(%dma_start3A_11 : memref<128xi32, #tpu.memory_space<vmem>>) semaphore(%arg12 : memref<!tpu.dma_semaphore, #tpu.memory_space<semaphore_mem>>)
    %scan3A_15 = arith.constant 0 : i32
    %scan3A_16 = arith.constant 0 : i32
    %scan3A_17 = arith.constant 40 : i32
    %scan3A_18 = arith.addi %scan3A_16, %scan3A_17 : i32
    %scan3A_19 = arith.constant 1 : i32
    scf.for %scan3A_26 = %scan3A_16 to %scan3A_18 step %scan3A_19  : i32 {
      %mul3A_27 = arith.constant 2 : i32
      %mul3A_28 = arith.muli %scan3A_26, %mul3A_27 : i32
      %dma_wait3A = arith.constant 0 : i32
      %dma_wait3A_29 = tpu.memref_slice %arg6[%mul3A_28, %dma_wait3A] : memref<80x128xi32, #tpu.memory_space<vmem>> -> memref<1x128xi32, #tpu.memory_space<vmem>>
      %dma_wait3A_30 = tpu.memref_squeeze %dma_wait3A_29 : memref<1x128xi32, #tpu.memory_space<vmem>> -> memref<128xi32, #tpu.memory_space<vmem>>
      %dma_wait3A_31 = arith.constant 0 : i32
      %dma_wait3A_32 = arith.constant 0 : i32
      %dma_wait3A_33 = tpu.memref_slice %arg2[%dma_wait3A_31, %dma_wait3A_32] : memref<10000x64xf32, #tpu.memory_space<hbm>> -> memref<10000x64xf32, #tpu.memory_space<hbm>>
      tpu.wait_indirect_dma semaphore(%arg12 : memref<!tpu.dma_semaphore, #tpu.memory_space<semaphore_mem>>) src(%dma_wait3A_33 : memref<10000x64xf32, #tpu.memory_space<hbm>>) dst(%arg8 : memref<128x64xf32, #tpu.memory_space<vmem>>)
      %add3A_34 = arith.constant 1 : i32
      %add3A_35 = arith.addi %mul3A_28, %add3A_34 : i32
      %dma_start3A_36 = arith.constant 0 : i32
      %dma_start3A_37 = tpu.memref_slice %arg6[%add3A_35, %dma_start3A_36] : memref<80x128xi32, #tpu.memory_space<vmem>> -> memref<1x128xi32, #tpu.memory_space<vmem>>
      %dma_start3A_38 = tpu.memref_squeeze %dma_start3A_37 : memref<1x128xi32, #tpu.memory_space<vmem>> -> memref<128xi32, #tpu.memory_space<vmem>>
      %dma_start3A_39 = arith.constant 0 : i32
      %dma_start3A_40 = arith.constant 0 : i32
      %dma_start3A_41 = tpu.memref_slice %arg2[%dma_start3A_39, %dma_start3A_40] : memref<10000x64xf32, #tpu.memory_space<hbm>> -> memref<10000x64xf32, #tpu.memory_space<hbm>>
      tpu.enqueue_indirect_dma source(%dma_start3A_41 : memref<10000x64xf32, #tpu.memory_space<hbm>>) target(%arg9 : memref<128x64xf32, #tpu.memory_space<vmem>>) offsets(%dma_start3A_38 : memref<128xi32, #tpu.memory_space<vmem>>) semaphore(%arg13 : memref<!tpu.dma_semaphore, #tpu.memory_space<semaphore_mem>>)
      "tpu.region"() ({
        %run_scoped3A = tpu.sem_alloc : memref<!tpu.dma_semaphore, #tpu.memory_space<semaphore_mem>>
        %dma_start3A_58 = arith.constant 0 : i32
        %dma_start3A_59 = tpu.memref_slice %arg7[%mul3A_28, %dma_start3A_58] : memref<80x128xi32, #tpu.memory_space<vmem>> -> memref<1x128xi32, #tpu.memory_space<vmem>>
        %dma_start3A_60 = tpu.memref_squeeze %dma_start3A_59 : memref<1x128xi32, #tpu.memory_space<vmem>> -> memref<128xi32, #tpu.memory_space<vmem>>
        %dma_start3A_61 = arith.constant 0 : i32
        %dma_start3A_62 = arith.constant 0 : i32
        %dma_start3A_63 = tpu.memref_slice %arg11[%dma_start3A_61, %dma_start3A_62] : memref<10240x64xf32, #tpu.memory_space<vmem_shared>> -> memref<10240x64xf32, #tpu.memory_space<vmem_shared>>
        tpu.enqueue_indirect_dma source(%arg8 : memref<128x64xf32, #tpu.memory_space<vmem>>) target(%dma_start3A_63 : memref<10240x64xf32, #tpu.memory_space<vmem_shared>>) offsets(%dma_start3A_60 : memref<128xi32, #tpu.memory_space<vmem>>) semaphore(%run_scoped3A : memref<!tpu.dma_semaphore, #tpu.memory_space<semaphore_mem>>) {add = true}
        %dma_wait3A_64 = arith.constant 0 : i32
        %dma_wait3A_65 = tpu.memref_slice %arg7[%mul3A_28, %dma_wait3A_64] : memref<80x128xi32, #tpu.memory_space<vmem>> -> memref<1x128xi32, #tpu.memory_space<vmem>>
        %dma_wait3A_66 = tpu.memref_squeeze %dma_wait3A_65 : memref<1x128xi32, #tpu.memory_space<vmem>> -> memref<128xi32, #tpu.memory_space<vmem>>
        %dma_wait3A_67 = arith.constant 0 : i32
        %dma_wait3A_68 = arith.constant 0 : i32
        %dma_wait3A_69 = tpu.memref_slice %arg11[%dma_wait3A_67, %dma_wait3A_68] : memref<10240x64xf32, #tpu.memory_space<vmem_shared>> -> memref<10240x64xf32, #tpu.memory_space<vmem_shared>>
        tpu.wait_indirect_dma semaphore(%run_scoped3A : memref<!tpu.dma_semaphore, #tpu.memory_space<semaphore_mem>>) src(%arg8 : memref<128x64xf32, #tpu.memory_space<vmem>>) dst(%dma_wait3A_69 : memref<10240x64xf32, #tpu.memory_space<vmem_shared>>)
        tpu.yield
      }) : () -> ()
      %add3A_42 = arith.constant 1 : i32
      %add3A_43 = arith.addi %mul3A_28, %add3A_42 : i32
      %dma_wait3A_44 = arith.constant 0 : i32
      %dma_wait3A_45 = tpu.memref_slice %arg6[%add3A_43, %dma_wait3A_44] : memref<80x128xi32, #tpu.memory_space<vmem>> -> memref<1x128xi32, #tpu.memory_space<vmem>>
      %dma_wait3A_46 = tpu.memref_squeeze %dma_wait3A_45 : memref<1x128xi32, #tpu.memory_space<vmem>> -> memref<128xi32, #tpu.memory_space<vmem>>
      %dma_wait3A_47 = arith.constant 0 : i32
      %dma_wait3A_48 = arith.constant 0 : i32
      %dma_wait3A_49 = tpu.memref_slice %arg2[%dma_wait3A_47, %dma_wait3A_48] : memref<10000x64xf32, #tpu.memory_space<hbm>> -> memref<10000x64xf32, #tpu.memory_space<hbm>>
      tpu.wait_indirect_dma semaphore(%arg13 : memref<!tpu.dma_semaphore, #tpu.memory_space<semaphore_mem>>) src(%dma_wait3A_49 : memref<10000x64xf32, #tpu.memory_space<hbm>>) dst(%arg9 : memref<128x64xf32, #tpu.memory_space<vmem>>)
      %mul3A_50 = arith.constant 2 : i32
      %mul3A_51 = arith.muli %scan3A_26, %mul3A_50 : i32
      %add3A_52 = arith.constant 2 : i32
      %add3A_53 = arith.addi %mul3A_51, %add3A_52 : i32
      %lt3A = arith.constant 80 : i32
      %lt3A_54 = arith.cmpi slt, %add3A_53, %lt3A : i32
      %convert_element_type3A = arith.extui %lt3A_54 : i1 to i32
      %cond3A = arith.constant 0 : i32
      %cond3A_55 = arith.cmpi ne, %convert_element_type3A, %cond3A : i32
      scf.if %cond3A_55 {
        %add3A_58 = arith.constant 2 : i32
        %add3A_59 = arith.addi %mul3A_28, %add3A_58 : i32
        %dma_start3A_60 = arith.constant 0 : i32
        %dma_start3A_61 = tpu.memref_slice %arg6[%add3A_59, %dma_start3A_60] : memref<80x128xi32, #tpu.memory_space<vmem>> -> memref<1x128xi32, #tpu.memory_space<vmem>>
        %dma_start3A_62 = tpu.memref_squeeze %dma_start3A_61 : memref<1x128xi32, #tpu.memory_space<vmem>> -> memref<128xi32, #tpu.memory_space<vmem>>
        %dma_start3A_63 = arith.constant 0 : i32
        %dma_start3A_64 = arith.constant 0 : i32
        %dma_start3A_65 = tpu.memref_slice %arg2[%dma_start3A_63, %dma_start3A_64] : memref<10000x64xf32, #tpu.memory_space<hbm>> -> memref<10000x64xf32, #tpu.memory_space<hbm>>
        tpu.enqueue_indirect_dma source(%dma_start3A_65 : memref<10000x64xf32, #tpu.memory_space<hbm>>) target(%arg8 : memref<128x64xf32, #tpu.memory_space<vmem>>) offsets(%dma_start3A_62 : memref<128xi32, #tpu.memory_space<vmem>>) semaphore(%arg12 : memref<!tpu.dma_semaphore, #tpu.memory_space<semaphore_mem>>)
      } else {
      }
      %add3A_56 = arith.constant 1 : i32
      %add3A_57 = arith.addi %mul3A_28, %add3A_56 : i32
      "tpu.region"() ({
        %run_scoped3A = tpu.sem_alloc : memref<!tpu.dma_semaphore, #tpu.memory_space<semaphore_mem>>
        %dma_start3A_58 = arith.constant 0 : i32
        %dma_start3A_59 = tpu.memref_slice %arg7[%add3A_57, %dma_start3A_58] : memref<80x128xi32, #tpu.memory_space<vmem>> -> memref<1x128xi32, #tpu.memory_space<vmem>>
        %dma_start3A_60 = tpu.memref_squeeze %dma_start3A_59 : memref<1x128xi32, #tpu.memory_space<vmem>> -> memref<128xi32, #tpu.memory_space<vmem>>
        %dma_start3A_61 = arith.constant 0 : i32
        %dma_start3A_62 = arith.constant 0 : i32
        %dma_start3A_63 = tpu.memref_slice %arg11[%dma_start3A_61, %dma_start3A_62] : memref<10240x64xf32, #tpu.memory_space<vmem_shared>> -> memref<10240x64xf32, #tpu.memory_space<vmem_shared>>
        tpu.enqueue_indirect_dma source(%arg9 : memref<128x64xf32, #tpu.memory_space<vmem>>) target(%dma_start3A_63 : memref<10240x64xf32, #tpu.memory_space<vmem_shared>>) offsets(%dma_start3A_60 : memref<128xi32, #tpu.memory_space<vmem>>) semaphore(%run_scoped3A : memref<!tpu.dma_semaphore, #tpu.memory_space<semaphore_mem>>) {add = true}
        %dma_wait3A_64 = arith.constant 0 : i32
        %dma_wait3A_65 = tpu.memref_slice %arg7[%add3A_57, %dma_wait3A_64] : memref<80x128xi32, #tpu.memory_space<vmem>> -> memref<1x128xi32, #tpu.memory_space<vmem>>
        %dma_wait3A_66 = tpu.memref_squeeze %dma_wait3A_65 : memref<1x128xi32, #tpu.memory_space<vmem>> -> memref<128xi32, #tpu.memory_space<vmem>>
        %dma_wait3A_67 = arith.constant 0 : i32
        %dma_wait3A_68 = arith.constant 0 : i32
        %dma_wait3A_69 = tpu.memref_slice %arg11[%dma_wait3A_67, %dma_wait3A_68] : memref<10240x64xf32, #tpu.memory_space<vmem_shared>> -> memref<10240x64xf32, #tpu.memory_space<vmem_shared>>
        tpu.wait_indirect_dma semaphore(%run_scoped3A : memref<!tpu.dma_semaphore, #tpu.memory_space<semaphore_mem>>) src(%arg9 : memref<128x64xf32, #tpu.memory_space<vmem>>) dst(%dma_wait3A_69 : memref<10240x64xf32, #tpu.memory_space<vmem_shared>>)
        tpu.yield
      }) : () -> ()
    }
    %scan3A_20 = arith.constant 40 : i32
    %barrier3A_21 = arith.constant 0 : index
    tpu.barrier barrier_id(%barrier3A_21)
    %mul3A_22 = arith.constant 640 : i32
    %mul3A_23 = arith.muli %arg1, %mul3A_22 : i32
    "tpu.region"() ({
      %run_scoped3A = tpu.sem_alloc : memref<!tpu.dma_semaphore, #tpu.memory_space<semaphore_mem>>
      %dma_start3A_26 = arith.constant 0 : i32
      %dma_start3A_27 = tpu.memref_slice %arg11[%mul3A_23, %dma_start3A_26] : memref<10240x64xf32, #tpu.memory_space<vmem_shared>> -> memref<640x64xf32, #tpu.memory_space<vmem_shared>>
      %dma_start3A_28 = arith.constant 0 : i32
      %dma_start3A_29 = tpu.memref_slice %arg11[%mul3A_23, %dma_start3A_28] : memref<10240x64xf32, #tpu.memory_space<vmem_shared>> -> memref<640x64xf32, #tpu.memory_space<vmem_shared>>
      tpu.enqueue_dma source(%dma_start3A_29 : memref<640x64xf32, #tpu.memory_space<vmem_shared>>) target(%arg10 : memref<640x64xf32, #tpu.memory_space<vmem>>) target_semaphore(%run_scoped3A : memref<!tpu.dma_semaphore, #tpu.memory_space<semaphore_mem>>)
      %dma_wait3A = arith.constant 0 : i32
      %dma_wait3A_30 = tpu.memref_slice %arg11[%mul3A_23, %dma_wait3A] : memref<10240x64xf32, #tpu.memory_space<vmem_shared>> -> memref<640x64xf32, #tpu.memory_space<vmem_shared>>
      %dma_wait3A_31 = arith.constant 0 : i32
      %dma_wait3A_32 = tpu.memref_slice %arg11[%mul3A_23, %dma_wait3A_31] : memref<10240x64xf32, #tpu.memory_space<vmem_shared>> -> memref<640x64xf32, #tpu.memory_space<vmem_shared>>
      tpu.wait_dma2 semaphore(%run_scoped3A : memref<!tpu.dma_semaphore, #tpu.memory_space<semaphore_mem>>) src(%dma_wait3A_32 : memref<640x64xf32, #tpu.memory_space<vmem_shared>>) dst(%arg10 : memref<640x64xf32, #tpu.memory_space<vmem>>)
      tpu.yield
    }) : () -> ()
    %mul3A_24 = arith.constant 640 : i32
    %mul3A_25 = arith.muli %arg1, %mul3A_24 : i32
    "tpu.region"() ({
      %run_scoped3A = tpu.sem_alloc : memref<!tpu.dma_semaphore, #tpu.memory_space<semaphore_mem>>
      %dma_start3A_26 = arith.constant 0 : i32
      %dma_start3A_27 = tpu.memref_slice %arg5[%arg0, %mul3A_25, %dma_start3A_26] : memref<2x10240x64xf32, #tpu.memory_space<hbm>> -> memref<1x640x64xf32, #tpu.memory_space<hbm>>
      %dma_start3A_28 = tpu.memref_squeeze %dma_start3A_27 : memref<1x640x64xf32, #tpu.memory_space<hbm>> -> memref<640x64xf32, #tpu.memory_space<hbm>>
      %dma_start3A_29 = arith.constant 0 : i32
      %dma_start3A_30 = tpu.memref_slice %arg5[%arg0, %mul3A_25, %dma_start3A_29] : memref<2x10240x64xf32, #tpu.memory_space<hbm>> -> memref<1x640x64xf32, #tpu.memory_space<hbm>>
      %dma_start3A_31 = tpu.memref_squeeze %dma_start3A_30 : memref<1x640x64xf32, #tpu.memory_space<hbm>> -> memref<640x64xf32, #tpu.memory_space<hbm>>
      tpu.enqueue_dma source(%arg10 : memref<640x64xf32, #tpu.memory_space<vmem>>) target(%dma_start3A_31 : memref<640x64xf32, #tpu.memory_space<hbm>>) target_semaphore(%run_scoped3A : memref<!tpu.dma_semaphore, #tpu.memory_space<semaphore_mem>>)
      %dma_wait3A = arith.constant 0 : i32
      %dma_wait3A_32 = tpu.memref_slice %arg5[%arg0, %mul3A_25, %dma_wait3A] : memref<2x10240x64xf32, #tpu.memory_space<hbm>> -> memref<1x640x64xf32, #tpu.memory_space<hbm>>
      %dma_wait3A_33 = tpu.memref_squeeze %dma_wait3A_32 : memref<1x640x64xf32, #tpu.memory_space<hbm>> -> memref<640x64xf32, #tpu.memory_space<hbm>>
      %dma_wait3A_34 = arith.constant 0 : i32
      %dma_wait3A_35 = tpu.memref_slice %arg5[%arg0, %mul3A_25, %dma_wait3A_34] : memref<2x10240x64xf32, #tpu.memory_space<hbm>> -> memref<1x640x64xf32, #tpu.memory_space<hbm>>
      %dma_wait3A_36 = tpu.memref_squeeze %dma_wait3A_35 : memref<1x640x64xf32, #tpu.memory_space<hbm>> -> memref<640x64xf32, #tpu.memory_space<hbm>>
      tpu.wait_dma2 semaphore(%run_scoped3A : memref<!tpu.dma_semaphore, #tpu.memory_space<semaphore_mem>>) src(%arg10 : memref<640x64xf32, #tpu.memory_space<vmem>>) dst(%dma_wait3A_36 : memref<640x64xf32, #tpu.memory_space<hbm>>)
      tpu.yield
    }) : () -> ()
    return
  }
}

#map = affine_map<(d0, d1) -> (0, 0, 0)>
module attributes {stable_mosaic.version = 14 : i64} {
  func.func @_deg_kernel(%arg0: i32, %arg1: i32, %arg2: memref<32x80x128xi32, #tpu.memory_space<hbm>>, %arg3: memref<2x10240x16xf32, #tpu.memory_space<hbm>>, %arg4: memref<80x128xi32, #tpu.memory_space<vmem>>, %arg5: memref<128x16xf32, #tpu.memory_space<vmem>>, %arg6: memref<640x16xf32, #tpu.memory_space<vmem>>, %arg7: memref<10240x16xf32, #tpu.memory_space<vmem_shared>>) attributes {dimension_semantics = [#tpu.dimension_semantics<core_parallel>, #tpu.dimension_semantics<subcore_parallel>], iteration_bounds = array<i64: 2, 16>, scalar_prefetch = 0 : i64, scratch_operands = 4 : i64, tpu.core_type = #tpu.core_type<sc_vector_subcore>, window_params = [{transform_indices = #map}, {transform_indices = #map}]} {
    %mul3A = arith.constant 16 : i32
    %mul3A_0 = arith.muli %arg0, %mul3A : i32
    %add3A = arith.addi %mul3A_0, %arg1 : i32
    %broadcast_in_dim3A = arith.constant 1.000000e+00 : f32
    %broadcast_in_dim3A_1 = vector.broadcast %broadcast_in_dim3A : f32 to vector<16xf32>
    %broadcast_in_dim3A_2 = arith.constant 0.000000e+00 : f32
    %broadcast_in_dim3A_3 = vector.broadcast %broadcast_in_dim3A_2 : f32 to vector<16xf32>
    %scan3A = arith.constant 0 : i32
    %scan3A_4 = arith.constant 0 : i32
    %scan3A_5 = arith.constant 128 : i32
    %scan3A_6 = arith.addi %scan3A_4, %scan3A_5 : i32
    %scan3A_7 = arith.constant 1 : i32
    scf.for %scan3A_28 = %scan3A_4 to %scan3A_6 step %scan3A_7  : i32 {
      %swap3A = arith.index_cast %scan3A_28 : i32 to index
      %swap3A_29 = arith.constant 0 : index
      %swap3A_30 = tpu.vector_load %arg5[%swap3A, %swap3A_29] {strides = array<i32>} : memref<128x16xf32, #tpu.memory_space<vmem>>, vector<1x16xf32>,
      %swap3A_31 = vector.shape_cast %swap3A_30 : vector<1x16xf32> to vector<16xf32>
      %swap3A_32 = vector.shape_cast %broadcast_in_dim3A_1 : vector<16xf32> to vector<1x16xf32>
      tpu.vector_store %arg5[%swap3A, %swap3A_29], %swap3A_32 {strides = array<i32>} : memref<128x16xf32, #tpu.memory_space<vmem>>, vector<1x16xf32>,
    }
    %scan3A_8 = arith.constant 128 : i32
    %scan3A_9 = arith.constant 0 : i32
    %scan3A_10 = arith.constant 0 : i32
    %scan3A_11 = arith.constant 640 : i32
    %scan3A_12 = arith.addi %scan3A_10, %scan3A_11 : i32
    %scan3A_13 = arith.constant 1 : i32
    scf.for %scan3A_28 = %scan3A_10 to %scan3A_12 step %scan3A_13  : i32 {
      %swap3A = arith.index_cast %scan3A_28 : i32 to index
      %swap3A_29 = arith.constant 0 : index
      %swap3A_30 = tpu.vector_load %arg6[%swap3A, %swap3A_29] {strides = array<i32>} : memref<640x16xf32, #tpu.memory_space<vmem>>, vector<1x16xf32>,
      %swap3A_31 = vector.shape_cast %swap3A_30 : vector<1x16xf32> to vector<16xf32>
      %swap3A_32 = vector.shape_cast %broadcast_in_dim3A_3 : vector<16xf32> to vector<1x16xf32>
      tpu.vector_store %arg6[%swap3A, %swap3A_29], %swap3A_32 {strides = array<i32>} : memref<640x16xf32, #tpu.memory_space<vmem>>, vector<1x16xf32>,
    }
    %scan3A_14 = arith.constant 640 : i32
    %mul3A_15 = arith.constant 640 : i32
    %mul3A_16 = arith.muli %arg1, %mul3A_15 : i32
    "tpu.region"() ({
      %run_scoped3A = tpu.sem_alloc : memref<!tpu.dma_semaphore, #tpu.memory_space<semaphore_mem>>
      %dma_start3A = arith.constant 0 : i32
      %dma_start3A_28 = tpu.memref_slice %arg7[%mul3A_16, %dma_start3A] : memref<10240x16xf32, #tpu.memory_space<vmem_shared>> -> memref<640x16xf32, #tpu.memory_space<vmem_shared>>
      %dma_start3A_29 = arith.constant 0 : i32
      %dma_start3A_30 = tpu.memref_slice %arg7[%mul3A_16, %dma_start3A_29] : memref<10240x16xf32, #tpu.memory_space<vmem_shared>> -> memref<640x16xf32, #tpu.memory_space<vmem_shared>>
      tpu.enqueue_dma source(%arg6 : memref<640x16xf32, #tpu.memory_space<vmem>>) target(%dma_start3A_30 : memref<640x16xf32, #tpu.memory_space<vmem_shared>>) target_semaphore(%run_scoped3A : memref<!tpu.dma_semaphore, #tpu.memory_space<semaphore_mem>>)
      %dma_wait3A = arith.constant 0 : i32
      %dma_wait3A_31 = tpu.memref_slice %arg7[%mul3A_16, %dma_wait3A] : memref<10240x16xf32, #tpu.memory_space<vmem_shared>> -> memref<640x16xf32, #tpu.memory_space<vmem_shared>>
      %dma_wait3A_32 = arith.constant 0 : i32
      %dma_wait3A_33 = tpu.memref_slice %arg7[%mul3A_16, %dma_wait3A_32] : memref<10240x16xf32, #tpu.memory_space<vmem_shared>> -> memref<640x16xf32, #tpu.memory_space<vmem_shared>>
      tpu.wait_dma2 semaphore(%run_scoped3A : memref<!tpu.dma_semaphore, #tpu.memory_space<semaphore_mem>>) src(%arg6 : memref<640x16xf32, #tpu.memory_space<vmem>>) dst(%dma_wait3A_33 : memref<640x16xf32, #tpu.memory_space<vmem_shared>>)
      tpu.yield
    }) : () -> ()
    %barrier3A = arith.constant 0 : index
    tpu.barrier barrier_id(%barrier3A)
    "tpu.region"() ({
      %run_scoped3A = tpu.sem_alloc : memref<!tpu.dma_semaphore, #tpu.memory_space<semaphore_mem>>
      %dma_start3A = arith.constant 0 : i32
      %dma_start3A_28 = arith.constant 0 : i32
      %dma_start3A_29 = tpu.memref_slice %arg2[%add3A, %dma_start3A, %dma_start3A_28] : memref<32x80x128xi32, #tpu.memory_space<hbm>> -> memref<1x80x128xi32, #tpu.memory_space<hbm>>
      %dma_start3A_30 = tpu.memref_squeeze %dma_start3A_29 : memref<1x80x128xi32, #tpu.memory_space<hbm>> -> memref<80x128xi32, #tpu.memory_space<hbm>>
      %dma_start3A_31 = arith.constant 0 : i32
      %dma_start3A_32 = arith.constant 0 : i32
      %dma_start3A_33 = tpu.memref_slice %arg2[%add3A, %dma_start3A_31, %dma_start3A_32] : memref<32x80x128xi32, #tpu.memory_space<hbm>> -> memref<1x80x128xi32, #tpu.memory_space<hbm>>
      %dma_start3A_34 = tpu.memref_squeeze %dma_start3A_33 : memref<1x80x128xi32, #tpu.memory_space<hbm>> -> memref<80x128xi32, #tpu.memory_space<hbm>>
      tpu.enqueue_dma source(%dma_start3A_34 : memref<80x128xi32, #tpu.memory_space<hbm>>) target(%arg4 : memref<80x128xi32, #tpu.memory_space<vmem>>) target_semaphore(%run_scoped3A : memref<!tpu.dma_semaphore, #tpu.memory_space<semaphore_mem>>)
      %dma_wait3A = arith.constant 0 : i32
      %dma_wait3A_35 = arith.constant 0 : i32
      %dma_wait3A_36 = tpu.memref_slice %arg2[%add3A, %dma_wait3A, %dma_wait3A_35] : memref<32x80x128xi32, #tpu.memory_space<hbm>> -> memref<1x80x128xi32, #tpu.memory_space<hbm>>
      %dma_wait3A_37 = tpu.memref_squeeze %dma_wait3A_36 : memref<1x80x128xi32, #tpu.memory_space<hbm>> -> memref<80x128xi32, #tpu.memory_space<hbm>>
      %dma_wait3A_38 = arith.constant 0 : i32
      %dma_wait3A_39 = arith.constant 0 : i32
      %dma_wait3A_40 = tpu.memref_slice %arg2[%add3A, %dma_wait3A_38, %dma_wait3A_39] : memref<32x80x128xi32, #tpu.memory_space<hbm>> -> memref<1x80x128xi32, #tpu.memory_space<hbm>>
      %dma_wait3A_41 = tpu.memref_squeeze %dma_wait3A_40 : memref<1x80x128xi32, #tpu.memory_space<hbm>> -> memref<80x128xi32, #tpu.memory_space<hbm>>
      tpu.wait_dma2 semaphore(%run_scoped3A : memref<!tpu.dma_semaphore, #tpu.memory_space<semaphore_mem>>) src(%dma_wait3A_41 : memref<80x128xi32, #tpu.memory_space<hbm>>) dst(%arg4 : memref<80x128xi32, #tpu.memory_space<vmem>>)
      tpu.yield
    }) : () -> ()
    %scan3A_17 = arith.constant 0 : i32
    %scan3A_18 = arith.constant 0 : i32
    %scan3A_19 = arith.constant 80 : i32
    %scan3A_20 = arith.addi %scan3A_18, %scan3A_19 : i32
    %scan3A_21 = arith.constant 1 : i32
    scf.for %scan3A_28 = %scan3A_18 to %scan3A_20 step %scan3A_21  : i32 {
      "tpu.region"() ({
        %run_scoped3A = tpu.sem_alloc : memref<!tpu.dma_semaphore, #tpu.memory_space<semaphore_mem>>
        %dma_start3A = arith.constant 0 : i32
        %dma_start3A_29 = tpu.memref_slice %arg4[%scan3A_28, %dma_start3A] : memref<80x128xi32, #tpu.memory_space<vmem>> -> memref<1x128xi32, #tpu.memory_space<vmem>>
        %dma_start3A_30 = tpu.memref_squeeze %dma_start3A_29 : memref<1x128xi32, #tpu.memory_space<vmem>> -> memref<128xi32, #tpu.memory_space<vmem>>
        %dma_start3A_31 = arith.constant 0 : i32
        %dma_start3A_32 = arith.constant 0 : i32
        %dma_start3A_33 = tpu.memref_slice %arg7[%dma_start3A_31, %dma_start3A_32] : memref<10240x16xf32, #tpu.memory_space<vmem_shared>> -> memref<10240x16xf32, #tpu.memory_space<vmem_shared>>
        tpu.enqueue_indirect_dma source(%arg5 : memref<128x16xf32, #tpu.memory_space<vmem>>) target(%dma_start3A_33 : memref<10240x16xf32, #tpu.memory_space<vmem_shared>>) offsets(%dma_start3A_30 : memref<128xi32, #tpu.memory_space<vmem>>) semaphore(%run_scoped3A : memref<!tpu.dma_semaphore, #tpu.memory_space<semaphore_mem>>) {add = true}
        %dma_wait3A = arith.constant 0 : i32
        %dma_wait3A_34 = tpu.memref_slice %arg4[%scan3A_28, %dma_wait3A] : memref<80x128xi32, #tpu.memory_space<vmem>> -> memref<1x128xi32, #tpu.memory_space<vmem>>
        %dma_wait3A_35 = tpu.memref_squeeze %dma_wait3A_34 : memref<1x128xi32, #tpu.memory_space<vmem>> -> memref<128xi32, #tpu.memory_space<vmem>>
        %dma_wait3A_36 = arith.constant 0 : i32
        %dma_wait3A_37 = arith.constant 0 : i32
        %dma_wait3A_38 = tpu.memref_slice %arg7[%dma_wait3A_36, %dma_wait3A_37] : memref<10240x16xf32, #tpu.memory_space<vmem_shared>> -> memref<10240x16xf32, #tpu.memory_space<vmem_shared>>
        tpu.wait_indirect_dma semaphore(%run_scoped3A : memref<!tpu.dma_semaphore, #tpu.memory_space<semaphore_mem>>) src(%arg5 : memref<128x16xf32, #tpu.memory_space<vmem>>) dst(%dma_wait3A_38 : memref<10240x16xf32, #tpu.memory_space<vmem_shared>>)
        tpu.yield
      }) : () -> ()
    }
    %scan3A_22 = arith.constant 80 : i32
    %barrier3A_23 = arith.constant 0 : index
    tpu.barrier barrier_id(%barrier3A_23)
    %mul3A_24 = arith.constant 640 : i32
    %mul3A_25 = arith.muli %arg1, %mul3A_24 : i32
    "tpu.region"() ({
      %run_scoped3A = tpu.sem_alloc : memref<!tpu.dma_semaphore, #tpu.memory_space<semaphore_mem>>
      %dma_start3A = arith.constant 0 : i32
      %dma_start3A_28 = tpu.memref_slice %arg7[%mul3A_25, %dma_start3A] : memref<10240x16xf32, #tpu.memory_space<vmem_shared>> -> memref<640x16xf32, #tpu.memory_space<vmem_shared>>
      %dma_start3A_29 = arith.constant 0 : i32
      %dma_start3A_30 = tpu.memref_slice %arg7[%mul3A_25, %dma_start3A_29] : memref<10240x16xf32, #tpu.memory_space<vmem_shared>> -> memref<640x16xf32, #tpu.memory_space<vmem_shared>>
      tpu.enqueue_dma source(%dma_start3A_30 : memref<640x16xf32, #tpu.memory_space<vmem_shared>>) target(%arg6 : memref<640x16xf32, #tpu.memory_space<vmem>>) target_semaphore(%run_scoped3A : memref<!tpu.dma_semaphore, #tpu.memory_space<semaphore_mem>>)
      %dma_wait3A = arith.constant 0 : i32
      %dma_wait3A_31 = tpu.memref_slice %arg7[%mul3A_25, %dma_wait3A] : memref<10240x16xf32, #tpu.memory_space<vmem_shared>> -> memref<640x16xf32, #tpu.memory_space<vmem_shared>>
      %dma_wait3A_32 = arith.constant 0 : i32
      %dma_wait3A_33 = tpu.memref_slice %arg7[%mul3A_25, %dma_wait3A_32] : memref<10240x16xf32, #tpu.memory_space<vmem_shared>> -> memref<640x16xf32, #tpu.memory_space<vmem_shared>>
      tpu.wait_dma2 semaphore(%run_scoped3A : memref<!tpu.dma_semaphore, #tpu.memory_space<semaphore_mem>>) src(%dma_wait3A_33 : memref<640x16xf32, #tpu.memory_space<vmem_shared>>) dst(%arg6 : memref<640x16xf32, #tpu.memory_space<vmem>>)
      tpu.yield
    }) : () -> ()
    %mul3A_26 = arith.constant 640 : i32
    %mul3A_27 = arith.muli %arg1, %mul3A_26 : i32
    "tpu.region"() ({
      %run_scoped3A = tpu.sem_alloc : memref<!tpu.dma_semaphore, #tpu.memory_space<semaphore_mem>>
      %dma_start3A = arith.constant 0 : i32
      %dma_start3A_28 = tpu.memref_slice %arg3[%arg0, %mul3A_27, %dma_start3A] : memref<2x10240x16xf32, #tpu.memory_space<hbm>> -> memref<1x640x16xf32, #tpu.memory_space<hbm>>
      %dma_start3A_29 = tpu.memref_squeeze %dma_start3A_28 : memref<1x640x16xf32, #tpu.memory_space<hbm>> -> memref<640x16xf32, #tpu.memory_space<hbm>>
      %dma_start3A_30 = arith.constant 0 : i32
      %dma_start3A_31 = tpu.memref_slice %arg3[%arg0, %mul3A_27, %dma_start3A_30] : memref<2x10240x16xf32, #tpu.memory_space<hbm>> -> memref<1x640x16xf32, #tpu.memory_space<hbm>>
      %dma_start3A_32 = tpu.memref_squeeze %dma_start3A_31 : memref<1x640x16xf32, #tpu.memory_space<hbm>> -> memref<640x16xf32, #tpu.memory_space<hbm>>
      tpu.enqueue_dma source(%arg6 : memref<640x16xf32, #tpu.memory_space<vmem>>) target(%dma_start3A_32 : memref<640x16xf32, #tpu.memory_space<hbm>>) target_semaphore(%run_scoped3A : memref<!tpu.dma_semaphore, #tpu.memory_space<semaphore_mem>>)
      %dma_wait3A = arith.constant 0 : i32
      %dma_wait3A_33 = tpu.memref_slice %arg3[%arg0, %mul3A_27, %dma_wait3A] : memref<2x10240x16xf32, #tpu.memory_space<hbm>> -> memref<1x640x16xf32, #tpu.memory_space<hbm>>
      %dma_wait3A_34 = tpu.memref_squeeze %dma_wait3A_33 : memref<1x640x16xf32, #tpu.memory_space<hbm>> -> memref<640x16xf32, #tpu.memory_space<hbm>>
      %dma_wait3A_35 = arith.constant 0 : i32
      %dma_wait3A_36 = tpu.memref_slice %arg3[%arg0, %mul3A_27, %dma_wait3A_35] : memref<2x10240x16xf32, #tpu.memory_space<hbm>> -> memref<1x640x16xf32, #tpu.memory_space<hbm>>
      %dma_wait3A_37 = tpu.memref_squeeze %dma_wait3A_36 : memref<1x640x16xf32, #tpu.memory_space<hbm>> -> memref<640x16xf32, #tpu.memory_space<hbm>>
      tpu.wait_dma2 semaphore(%run_scoped3A : memref<!tpu.dma_semaphore, #tpu.memory_space<semaphore_mem>>) src(%arg6 : memref<640x16xf32, #tpu.memory_space<vmem>>) dst(%dma_wait3A_37 : memref<640x16xf32, #tpu.memory_space<hbm>>)
      tpu.yield
    }) : () -> ()
    return
  }
}

#map = affine_map<(d0, d1) -> (0, 0)>
#map1 = affine_map<(d0, d1) -> (0, 0, 0)>
module attributes {stable_mosaic.version = 14 : i64} {
  func.func @_segsum_kernel(%arg0: i32, %arg1: i32, %arg2: memref<10000x64xf32, #tpu.memory_space<hbm>>, %arg3: memref<32x80x128xi32, #tpu.memory_space<hbm>>, %arg4: memref<32x80x128xi32, #tpu.memory_space<hbm>>, %arg5: memref<2x10240x64xf32, #tpu.memory_space<hbm>>, %arg6: memref<80x128xi32, #tpu.memory_space<vmem>>, %arg7: memref<80x128xi32, #tpu.memory_space<vmem>>, %arg8: memref<128x64xf32, #tpu.memory_space<vmem>>, %arg9: memref<128x64xf32, #tpu.memory_space<vmem>>, %arg10: memref<640x64xf32, #tpu.memory_space<vmem>>, %arg11: memref<10240x64xf32, #tpu.memory_space<vmem_shared>>, %arg12: memref<!tpu.dma_semaphore, #tpu.memory_space<semaphore_mem>>, %arg13: memref<!tpu.dma_semaphore, #tpu.memory_space<semaphore_mem>>) attributes {dimension_semantics = [#tpu.dimension_semantics<core_parallel>, #tpu.dimension_semantics<subcore_parallel>], iteration_bounds = array<i64: 2, 16>, scalar_prefetch = 0 : i64, scratch_operands = 8 : i64, tpu.core_type = #tpu.core_type<sc_vector_subcore>, window_params = [{transform_indices = #map}, {transform_indices = #map1}, {transform_indices = #map1}, {transform_indices = #map1}]} {
    %mul3A = arith.constant 16 : i32
    %mul3A_0 = arith.muli %arg0, %mul3A : i32
    %add3A = arith.addi %mul3A_0, %arg1 : i32
    %broadcast_in_dim3A = arith.constant 0.000000e+00 : f32
    %broadcast_in_dim3A_1 = vector.broadcast %broadcast_in_dim3A : f32 to vector<16xf32>
    %scan3A = arith.constant 0 : i32
    %scan3A_2 = arith.constant 0 : i32
    %scan3A_3 = arith.constant 640 : i32
    %scan3A_4 = arith.addi %scan3A_2, %scan3A_3 : i32
    %scan3A_5 = arith.constant 1 : i32
    scf.for %scan3A_26 = %scan3A_2 to %scan3A_4 step %scan3A_5  : i32 {
      %swap3A = arith.index_cast %scan3A_26 : i32 to index
      %swap3A_27 = arith.constant 0 : index
      %swap3A_28 = tpu.vector_load %arg10[%swap3A, %swap3A_27] {strides = array<i32>} : memref<640x64xf32, #tpu.memory_space<vmem>>, vector<1x16xf32>,
      %swap3A_29 = vector.shape_cast %swap3A_28 : vector<1x16xf32> to vector<16xf32>
      %swap3A_30 = vector.shape_cast %broadcast_in_dim3A_1 : vector<16xf32> to vector<1x16xf32>
      tpu.vector_store %arg10[%swap3A, %swap3A_27], %swap3A_30 {strides = array<i32>} : memref<640x64xf32, #tpu.memory_space<vmem>>, vector<1x16xf32>,
      %swap3A_31 = arith.index_cast %scan3A_26 : i32 to index
      %swap3A_32 = arith.constant 16 : index
      %swap3A_33 = tpu.vector_load %arg10[%swap3A_31, %swap3A_32] {strides = array<i32>} : memref<640x64xf32, #tpu.memory_space<vmem>>, vector<1x16xf32>,
      %swap3A_34 = vector.shape_cast %swap3A_33 : vector<1x16xf32> to vector<16xf32>
      %swap3A_35 = vector.shape_cast %broadcast_in_dim3A_1 : vector<16xf32> to vector<1x16xf32>
      tpu.vector_store %arg10[%swap3A_31, %swap3A_32], %swap3A_35 {strides = array<i32>} : memref<640x64xf32, #tpu.memory_space<vmem>>, vector<1x16xf32>,
      %swap3A_36 = arith.index_cast %scan3A_26 : i32 to index
      %swap3A_37 = arith.constant 32 : index
      %swap3A_38 = tpu.vector_load %arg10[%swap3A_36, %swap3A_37] {strides = array<i32>} : memref<640x64xf32, #tpu.memory_space<vmem>>, vector<1x16xf32>,
      %swap3A_39 = vector.shape_cast %swap3A_38 : vector<1x16xf32> to vector<16xf32>
      %swap3A_40 = vector.shape_cast %broadcast_in_dim3A_1 : vector<16xf32> to vector<1x16xf32>
      tpu.vector_store %arg10[%swap3A_36, %swap3A_37], %swap3A_40 {strides = array<i32>} : memref<640x64xf32, #tpu.memory_space<vmem>>, vector<1x16xf32>,
      %swap3A_41 = arith.index_cast %scan3A_26 : i32 to index
      %swap3A_42 = arith.constant 48 : index
      %swap3A_43 = tpu.vector_load %arg10[%swap3A_41, %swap3A_42] {strides = array<i32>} : memref<640x64xf32, #tpu.memory_space<vmem>>, vector<1x16xf32>,
      %swap3A_44 = vector.shape_cast %swap3A_43 : vector<1x16xf32> to vector<16xf32>
      %swap3A_45 = vector.shape_cast %broadcast_in_dim3A_1 : vector<16xf32> to vector<1x16xf32>
      tpu.vector_store %arg10[%swap3A_41, %swap3A_42], %swap3A_45 {strides = array<i32>} : memref<640x64xf32, #tpu.memory_space<vmem>>, vector<1x16xf32>,
    }
    %scan3A_6 = arith.constant 640 : i32
    %mul3A_7 = arith.constant 640 : i32
    %mul3A_8 = arith.muli %arg1, %mul3A_7 : i32
    "tpu.region"() ({
      %run_scoped3A = tpu.sem_alloc : memref<!tpu.dma_semaphore, #tpu.memory_space<semaphore_mem>>
      %dma_start3A_26 = arith.constant 0 : i32
      %dma_start3A_27 = tpu.memref_slice %arg11[%mul3A_8, %dma_start3A_26] : memref<10240x64xf32, #tpu.memory_space<vmem_shared>> -> memref<640x64xf32, #tpu.memory_space<vmem_shared>>
      %dma_start3A_28 = arith.constant 0 : i32
      %dma_start3A_29 = tpu.memref_slice %arg11[%mul3A_8, %dma_start3A_28] : memref<10240x64xf32, #tpu.memory_space<vmem_shared>> -> memref<640x64xf32, #tpu.memory_space<vmem_shared>>
      tpu.enqueue_dma source(%arg10 : memref<640x64xf32, #tpu.memory_space<vmem>>) target(%dma_start3A_29 : memref<640x64xf32, #tpu.memory_space<vmem_shared>>) target_semaphore(%run_scoped3A : memref<!tpu.dma_semaphore, #tpu.memory_space<semaphore_mem>>)
      %dma_wait3A = arith.constant 0 : i32
      %dma_wait3A_30 = tpu.memref_slice %arg11[%mul3A_8, %dma_wait3A] : memref<10240x64xf32, #tpu.memory_space<vmem_shared>> -> memref<640x64xf32, #tpu.memory_space<vmem_shared>>
      %dma_wait3A_31 = arith.constant 0 : i32
      %dma_wait3A_32 = tpu.memref_slice %arg11[%mul3A_8, %dma_wait3A_31] : memref<10240x64xf32, #tpu.memory_space<vmem_shared>> -> memref<640x64xf32, #tpu.memory_space<vmem_shared>>
      tpu.wait_dma2 semaphore(%run_scoped3A : memref<!tpu.dma_semaphore, #tpu.memory_space<semaphore_mem>>) src(%arg10 : memref<640x64xf32, #tpu.memory_space<vmem>>) dst(%dma_wait3A_32 : memref<640x64xf32, #tpu.memory_space<vmem_shared>>)
      tpu.yield
    }) : () -> ()
    %barrier3A = arith.constant 0 : index
    tpu.barrier barrier_id(%barrier3A)
    "tpu.region"() ({
      %run_scoped3A = tpu.sem_alloc : memref<!tpu.dma_semaphore, #tpu.memory_space<semaphore_mem>>
      %dma_start3A_26 = arith.constant 0 : i32
      %dma_start3A_27 = arith.constant 0 : i32
      %dma_start3A_28 = tpu.memref_slice %arg3[%add3A, %dma_start3A_26, %dma_start3A_27] : memref<32x80x128xi32, #tpu.memory_space<hbm>> -> memref<1x80x128xi32, #tpu.memory_space<hbm>>
      %dma_start3A_29 = tpu.memref_squeeze %dma_start3A_28 : memref<1x80x128xi32, #tpu.memory_space<hbm>> -> memref<80x128xi32, #tpu.memory_space<hbm>>
      %dma_start3A_30 = arith.constant 0 : i32
      %dma_start3A_31 = arith.constant 0 : i32
      %dma_start3A_32 = tpu.memref_slice %arg3[%add3A, %dma_start3A_30, %dma_start3A_31] : memref<32x80x128xi32, #tpu.memory_space<hbm>> -> memref<1x80x128xi32, #tpu.memory_space<hbm>>
      %dma_start3A_33 = tpu.memref_squeeze %dma_start3A_32 : memref<1x80x128xi32, #tpu.memory_space<hbm>> -> memref<80x128xi32, #tpu.memory_space<hbm>>
      tpu.enqueue_dma source(%dma_start3A_33 : memref<80x128xi32, #tpu.memory_space<hbm>>) target(%arg6 : memref<80x128xi32, #tpu.memory_space<vmem>>) target_semaphore(%run_scoped3A : memref<!tpu.dma_semaphore, #tpu.memory_space<semaphore_mem>>)
      %dma_wait3A = arith.constant 0 : i32
      %dma_wait3A_34 = arith.constant 0 : i32
      %dma_wait3A_35 = tpu.memref_slice %arg3[%add3A, %dma_wait3A, %dma_wait3A_34] : memref<32x80x128xi32, #tpu.memory_space<hbm>> -> memref<1x80x128xi32, #tpu.memory_space<hbm>>
      %dma_wait3A_36 = tpu.memref_squeeze %dma_wait3A_35 : memref<1x80x128xi32, #tpu.memory_space<hbm>> -> memref<80x128xi32, #tpu.memory_space<hbm>>
      %dma_wait3A_37 = arith.constant 0 : i32
      %dma_wait3A_38 = arith.constant 0 : i32
      %dma_wait3A_39 = tpu.memref_slice %arg3[%add3A, %dma_wait3A_37, %dma_wait3A_38] : memref<32x80x128xi32, #tpu.memory_space<hbm>> -> memref<1x80x128xi32, #tpu.memory_space<hbm>>
      %dma_wait3A_40 = tpu.memref_squeeze %dma_wait3A_39 : memref<1x80x128xi32, #tpu.memory_space<hbm>> -> memref<80x128xi32, #tpu.memory_space<hbm>>
      tpu.wait_dma2 semaphore(%run_scoped3A : memref<!tpu.dma_semaphore, #tpu.memory_space<semaphore_mem>>) src(%dma_wait3A_40 : memref<80x128xi32, #tpu.memory_space<hbm>>) dst(%arg6 : memref<80x128xi32, #tpu.memory_space<vmem>>)
      tpu.yield
    }) : () -> ()
    "tpu.region"() ({
      %run_scoped3A = tpu.sem_alloc : memref<!tpu.dma_semaphore, #tpu.memory_space<semaphore_mem>>
      %dma_start3A_26 = arith.constant 0 : i32
      %dma_start3A_27 = arith.constant 0 : i32
      %dma_start3A_28 = tpu.memref_slice %arg4[%add3A, %dma_start3A_26, %dma_start3A_27] : memref<32x80x128xi32, #tpu.memory_space<hbm>> -> memref<1x80x128xi32, #tpu.memory_space<hbm>>
      %dma_start3A_29 = tpu.memref_squeeze %dma_start3A_28 : memref<1x80x128xi32, #tpu.memory_space<hbm>> -> memref<80x128xi32, #tpu.memory_space<hbm>>
      %dma_start3A_30 = arith.constant 0 : i32
      %dma_start3A_31 = arith.constant 0 : i32
      %dma_start3A_32 = tpu.memref_slice %arg4[%add3A, %dma_start3A_30, %dma_start3A_31] : memref<32x80x128xi32, #tpu.memory_space<hbm>> -> memref<1x80x128xi32, #tpu.memory_space<hbm>>
      %dma_start3A_33 = tpu.memref_squeeze %dma_start3A_32 : memref<1x80x128xi32, #tpu.memory_space<hbm>> -> memref<80x128xi32, #tpu.memory_space<hbm>>
      tpu.enqueue_dma source(%dma_start3A_33 : memref<80x128xi32, #tpu.memory_space<hbm>>) target(%arg7 : memref<80x128xi32, #tpu.memory_space<vmem>>) target_semaphore(%run_scoped3A : memref<!tpu.dma_semaphore, #tpu.memory_space<semaphore_mem>>)
      %dma_wait3A = arith.constant 0 : i32
      %dma_wait3A_34 = arith.constant 0 : i32
      %dma_wait3A_35 = tpu.memref_slice %arg4[%add3A, %dma_wait3A, %dma_wait3A_34] : memref<32x80x128xi32, #tpu.memory_space<hbm>> -> memref<1x80x128xi32, #tpu.memory_space<hbm>>
      %dma_wait3A_36 = tpu.memref_squeeze %dma_wait3A_35 : memref<1x80x128xi32, #tpu.memory_space<hbm>> -> memref<80x128xi32, #tpu.memory_space<hbm>>
      %dma_wait3A_37 = arith.constant 0 : i32
      %dma_wait3A_38 = arith.constant 0 : i32
      %dma_wait3A_39 = tpu.memref_slice %arg4[%add3A, %dma_wait3A_37, %dma_wait3A_38] : memref<32x80x128xi32, #tpu.memory_space<hbm>> -> memref<1x80x128xi32, #tpu.memory_space<hbm>>
      %dma_wait3A_40 = tpu.memref_squeeze %dma_wait3A_39 : memref<1x80x128xi32, #tpu.memory_space<hbm>> -> memref<80x128xi32, #tpu.memory_space<hbm>>
      tpu.wait_dma2 semaphore(%run_scoped3A : memref<!tpu.dma_semaphore, #tpu.memory_space<semaphore_mem>>) src(%dma_wait3A_40 : memref<80x128xi32, #tpu.memory_space<hbm>>) dst(%arg7 : memref<80x128xi32, #tpu.memory_space<vmem>>)
      tpu.yield
    }) : () -> ()
    %dma_start3A = arith.constant 0 : i32
    %dma_start3A_9 = arith.constant 0 : i32
    %dma_start3A_10 = tpu.memref_slice %arg6[%dma_start3A, %dma_start3A_9] : memref<80x128xi32, #tpu.memory_space<vmem>> -> memref<1x128xi32, #tpu.memory_space<vmem>>
    %dma_start3A_11 = tpu.memref_squeeze %dma_start3A_10 : memref<1x128xi32, #tpu.memory_space<vmem>> -> memref<128xi32, #tpu.memory_space<vmem>>
    %dma_start3A_12 = arith.constant 0 : i32
    %dma_start3A_13 = arith.constant 0 : i32
    %dma_start3A_14 = tpu.memref_slice %arg2[%dma_start3A_12, %dma_start3A_13] : memref<10000x64xf32, #tpu.memory_space<hbm>> -> memref<10000x64xf32, #tpu.memory_space<hbm>>
    tpu.enqueue_indirect_dma source(%dma_start3A_14 : memref<10000x64xf32, #tpu.memory_space<hbm>>) target(%arg8 : memref<128x64xf32, #tpu.memory_space<vmem>>) offsets(%dma_start3A_11 : memref<128xi32, #tpu.memory_space<vmem>>) semaphore(%arg12 : memref<!tpu.dma_semaphore, #tpu.memory_space<semaphore_mem>>)
    %scan3A_15 = arith.constant 0 : i32
    %scan3A_16 = arith.constant 0 : i32
    %scan3A_17 = arith.constant 40 : i32
    %scan3A_18 = arith.addi %scan3A_16, %scan3A_17 : i32
    %scan3A_19 = arith.constant 1 : i32
    scf.for %scan3A_26 = %scan3A_16 to %scan3A_18 step %scan3A_19  : i32 {
      %mul3A_27 = arith.constant 2 : i32
      %mul3A_28 = arith.muli %scan3A_26, %mul3A_27 : i32
      %dma_wait3A = arith.constant 0 : i32
      %dma_wait3A_29 = tpu.memref_slice %arg6[%mul3A_28, %dma_wait3A] : memref<80x128xi32, #tpu.memory_space<vmem>> -> memref<1x128xi32, #tpu.memory_space<vmem>>
      %dma_wait3A_30 = tpu.memref_squeeze %dma_wait3A_29 : memref<1x128xi32, #tpu.memory_space<vmem>> -> memref<128xi32, #tpu.memory_space<vmem>>
      %dma_wait3A_31 = arith.constant 0 : i32
      %dma_wait3A_32 = arith.constant 0 : i32
      %dma_wait3A_33 = tpu.memref_slice %arg2[%dma_wait3A_31, %dma_wait3A_32] : memref<10000x64xf32, #tpu.memory_space<hbm>> -> memref<10000x64xf32, #tpu.memory_space<hbm>>
      tpu.wait_indirect_dma semaphore(%arg12 : memref<!tpu.dma_semaphore, #tpu.memory_space<semaphore_mem>>) src(%dma_wait3A_33 : memref<10000x64xf32, #tpu.memory_space<hbm>>) dst(%arg8 : memref<128x64xf32, #tpu.memory_space<vmem>>)
      %add3A_34 = arith.constant 1 : i32
      %add3A_35 = arith.addi %mul3A_28, %add3A_34 : i32
      %dma_start3A_36 = arith.constant 0 : i32
      %dma_start3A_37 = tpu.memref_slice %arg6[%add3A_35, %dma_start3A_36] : memref<80x128xi32, #tpu.memory_space<vmem>> -> memref<1x128xi32, #tpu.memory_space<vmem>>
      %dma_start3A_38 = tpu.memref_squeeze %dma_start3A_37 : memref<1x128xi32, #tpu.memory_space<vmem>> -> memref<128xi32, #tpu.memory_space<vmem>>
      %dma_start3A_39 = arith.constant 0 : i32
      %dma_start3A_40 = arith.constant 0 : i32
      %dma_start3A_41 = tpu.memref_slice %arg2[%dma_start3A_39, %dma_start3A_40] : memref<10000x64xf32, #tpu.memory_space<hbm>> -> memref<10000x64xf32, #tpu.memory_space<hbm>>
      tpu.enqueue_indirect_dma source(%dma_start3A_41 : memref<10000x64xf32, #tpu.memory_space<hbm>>) target(%arg9 : memref<128x64xf32, #tpu.memory_space<vmem>>) offsets(%dma_start3A_38 : memref<128xi32, #tpu.memory_space<vmem>>) semaphore(%arg13 : memref<!tpu.dma_semaphore, #tpu.memory_space<semaphore_mem>>)
      "tpu.region"() ({
        %run_scoped3A = tpu.sem_alloc : memref<!tpu.dma_semaphore, #tpu.memory_space<semaphore_mem>>
        %dma_start3A_58 = arith.constant 0 : i32
        %dma_start3A_59 = tpu.memref_slice %arg7[%mul3A_28, %dma_start3A_58] : memref<80x128xi32, #tpu.memory_space<vmem>> -> memref<1x128xi32, #tpu.memory_space<vmem>>
        %dma_start3A_60 = tpu.memref_squeeze %dma_start3A_59 : memref<1x128xi32, #tpu.memory_space<vmem>> -> memref<128xi32, #tpu.memory_space<vmem>>
        %dma_start3A_61 = arith.constant 0 : i32
        %dma_start3A_62 = arith.constant 0 : i32
        %dma_start3A_63 = tpu.memref_slice %arg11[%dma_start3A_61, %dma_start3A_62] : memref<10240x64xf32, #tpu.memory_space<vmem_shared>> -> memref<10240x64xf32, #tpu.memory_space<vmem_shared>>
        tpu.enqueue_indirect_dma source(%arg8 : memref<128x64xf32, #tpu.memory_space<vmem>>) target(%dma_start3A_63 : memref<10240x64xf32, #tpu.memory_space<vmem_shared>>) offsets(%dma_start3A_60 : memref<128xi32, #tpu.memory_space<vmem>>) semaphore(%run_scoped3A : memref<!tpu.dma_semaphore, #tpu.memory_space<semaphore_mem>>) {add = true}
        %dma_wait3A_64 = arith.constant 0 : i32
        %dma_wait3A_65 = tpu.memref_slice %arg7[%mul3A_28, %dma_wait3A_64] : memref<80x128xi32, #tpu.memory_space<vmem>> -> memref<1x128xi32, #tpu.memory_space<vmem>>
        %dma_wait3A_66 = tpu.memref_squeeze %dma_wait3A_65 : memref<1x128xi32, #tpu.memory_space<vmem>> -> memref<128xi32, #tpu.memory_space<vmem>>
        %dma_wait3A_67 = arith.constant 0 : i32
        %dma_wait3A_68 = arith.constant 0 : i32
        %dma_wait3A_69 = tpu.memref_slice %arg11[%dma_wait3A_67, %dma_wait3A_68] : memref<10240x64xf32, #tpu.memory_space<vmem_shared>> -> memref<10240x64xf32, #tpu.memory_space<vmem_shared>>
        tpu.wait_indirect_dma semaphore(%run_scoped3A : memref<!tpu.dma_semaphore, #tpu.memory_space<semaphore_mem>>) src(%arg8 : memref<128x64xf32, #tpu.memory_space<vmem>>) dst(%dma_wait3A_69 : memref<10240x64xf32, #tpu.memory_space<vmem_shared>>)
        tpu.yield
      }) : () -> ()
      %add3A_42 = arith.constant 1 : i32
      %add3A_43 = arith.addi %mul3A_28, %add3A_42 : i32
      %dma_wait3A_44 = arith.constant 0 : i32
      %dma_wait3A_45 = tpu.memref_slice %arg6[%add3A_43, %dma_wait3A_44] : memref<80x128xi32, #tpu.memory_space<vmem>> -> memref<1x128xi32, #tpu.memory_space<vmem>>
      %dma_wait3A_46 = tpu.memref_squeeze %dma_wait3A_45 : memref<1x128xi32, #tpu.memory_space<vmem>> -> memref<128xi32, #tpu.memory_space<vmem>>
      %dma_wait3A_47 = arith.constant 0 : i32
      %dma_wait3A_48 = arith.constant 0 : i32
      %dma_wait3A_49 = tpu.memref_slice %arg2[%dma_wait3A_47, %dma_wait3A_48] : memref<10000x64xf32, #tpu.memory_space<hbm>> -> memref<10000x64xf32, #tpu.memory_space<hbm>>
      tpu.wait_indirect_dma semaphore(%arg13 : memref<!tpu.dma_semaphore, #tpu.memory_space<semaphore_mem>>) src(%dma_wait3A_49 : memref<10000x64xf32, #tpu.memory_space<hbm>>) dst(%arg9 : memref<128x64xf32, #tpu.memory_space<vmem>>)
      %mul3A_50 = arith.constant 2 : i32
      %mul3A_51 = arith.muli %scan3A_26, %mul3A_50 : i32
      %add3A_52 = arith.constant 2 : i32
      %add3A_53 = arith.addi %mul3A_51, %add3A_52 : i32
      %lt3A = arith.constant 80 : i32
      %lt3A_54 = arith.cmpi slt, %add3A_53, %lt3A : i32
      %convert_element_type3A = arith.extui %lt3A_54 : i1 to i32
      %cond3A = arith.constant 0 : i32
      %cond3A_55 = arith.cmpi ne, %convert_element_type3A, %cond3A : i32
      scf.if %cond3A_55 {
        %add3A_58 = arith.constant 2 : i32
        %add3A_59 = arith.addi %mul3A_28, %add3A_58 : i32
        %dma_start3A_60 = arith.constant 0 : i32
        %dma_start3A_61 = tpu.memref_slice %arg6[%add3A_59, %dma_start3A_60] : memref<80x128xi32, #tpu.memory_space<vmem>> -> memref<1x128xi32, #tpu.memory_space<vmem>>
        %dma_start3A_62 = tpu.memref_squeeze %dma_start3A_61 : memref<1x128xi32, #tpu.memory_space<vmem>> -> memref<128xi32, #tpu.memory_space<vmem>>
        %dma_start3A_63 = arith.constant 0 : i32
        %dma_start3A_64 = arith.constant 0 : i32
        %dma_start3A_65 = tpu.memref_slice %arg2[%dma_start3A_63, %dma_start3A_64] : memref<10000x64xf32, #tpu.memory_space<hbm>> -> memref<10000x64xf32, #tpu.memory_space<hbm>>
        tpu.enqueue_indirect_dma source(%dma_start3A_65 : memref<10000x64xf32, #tpu.memory_space<hbm>>) target(%arg8 : memref<128x64xf32, #tpu.memory_space<vmem>>) offsets(%dma_start3A_62 : memref<128xi32, #tpu.memory_space<vmem>>) semaphore(%arg12 : memref<!tpu.dma_semaphore, #tpu.memory_space<semaphore_mem>>)
      } else {
      }
      %add3A_56 = arith.constant 1 : i32
      %add3A_57 = arith.addi %mul3A_28, %add3A_56 : i32
      "tpu.region"() ({
        %run_scoped3A = tpu.sem_alloc : memref<!tpu.dma_semaphore, #tpu.memory_space<semaphore_mem>>
        %dma_start3A_58 = arith.constant 0 : i32
        %dma_start3A_59 = tpu.memref_slice %arg7[%add3A_57, %dma_start3A_58] : memref<80x128xi32, #tpu.memory_space<vmem>> -> memref<1x128xi32, #tpu.memory_space<vmem>>
        %dma_start3A_60 = tpu.memref_squeeze %dma_start3A_59 : memref<1x128xi32, #tpu.memory_space<vmem>> -> memref<128xi32, #tpu.memory_space<vmem>>
        %dma_start3A_61 = arith.constant 0 : i32
        %dma_start3A_62 = arith.constant 0 : i32
        %dma_start3A_63 = tpu.memref_slice %arg11[%dma_start3A_61, %dma_start3A_62] : memref<10240x64xf32, #tpu.memory_space<vmem_shared>> -> memref<10240x64xf32, #tpu.memory_space<vmem_shared>>
        tpu.enqueue_indirect_dma source(%arg9 : memref<128x64xf32, #tpu.memory_space<vmem>>) target(%dma_start3A_63 : memref<10240x64xf32, #tpu.memory_space<vmem_shared>>) offsets(%dma_start3A_60 : memref<128xi32, #tpu.memory_space<vmem>>) semaphore(%run_scoped3A : memref<!tpu.dma_semaphore, #tpu.memory_space<semaphore_mem>>) {add = true}
        %dma_wait3A_64 = arith.constant 0 : i32
        %dma_wait3A_65 = tpu.memref_slice %arg7[%add3A_57, %dma_wait3A_64] : memref<80x128xi32, #tpu.memory_space<vmem>> -> memref<1x128xi32, #tpu.memory_space<vmem>>
        %dma_wait3A_66 = tpu.memref_squeeze %dma_wait3A_65 : memref<1x128xi32, #tpu.memory_space<vmem>> -> memref<128xi32, #tpu.memory_space<vmem>>
        %dma_wait3A_67 = arith.constant 0 : i32
        %dma_wait3A_68 = arith.constant 0 : i32
        %dma_wait3A_69 = tpu.memref_slice %arg11[%dma_wait3A_67, %dma_wait3A_68] : memref<10240x64xf32, #tpu.memory_space<vmem_shared>> -> memref<10240x64xf32, #tpu.memory_space<vmem_shared>>
        tpu.wait_indirect_dma semaphore(%run_scoped3A : memref<!tpu.dma_semaphore, #tpu.memory_space<semaphore_mem>>) src(%arg9 : memref<128x64xf32, #tpu.memory_space<vmem>>) dst(%dma_wait3A_69 : memref<10240x64xf32, #tpu.memory_space<vmem_shared>>)
        tpu.yield
      }) : () -> ()
    }
    %scan3A_20 = arith.constant 40 : i32
    %barrier3A_21 = arith.constant 0 : index
    tpu.barrier barrier_id(%barrier3A_21)
    %mul3A_22 = arith.constant 640 : i32
    %mul3A_23 = arith.muli %arg1, %mul3A_22 : i32
    "tpu.region"() ({
      %run_scoped3A = tpu.sem_alloc : memref<!tpu.dma_semaphore, #tpu.memory_space<semaphore_mem>>
      %dma_start3A_26 = arith.constant 0 : i32
      %dma_start3A_27 = tpu.memref_slice %arg11[%mul3A_23, %dma_start3A_26] : memref<10240x64xf32, #tpu.memory_space<vmem_shared>> -> memref<640x64xf32, #tpu.memory_space<vmem_shared>>
      %dma_start3A_28 = arith.constant 0 : i32
      %dma_start3A_29 = tpu.memref_slice %arg11[%mul3A_23, %dma_start3A_28] : memref<10240x64xf32, #tpu.memory_space<vmem_shared>> -> memref<640x64xf32, #tpu.memory_space<vmem_shared>>
      tpu.enqueue_dma source(%dma_start3A_29 : memref<640x64xf32, #tpu.memory_space<vmem_shared>>) target(%arg10 : memref<640x64xf32, #tpu.memory_space<vmem>>) target_semaphore(%run_scoped3A : memref<!tpu.dma_semaphore, #tpu.memory_space<semaphore_mem>>)
      %dma_wait3A = arith.constant 0 : i32
      %dma_wait3A_30 = tpu.memref_slice %arg11[%mul3A_23, %dma_wait3A] : memref<10240x64xf32, #tpu.memory_space<vmem_shared>> -> memref<640x64xf32, #tpu.memory_space<vmem_shared>>
      %dma_wait3A_31 = arith.constant 0 : i32
      %dma_wait3A_32 = tpu.memref_slice %arg11[%mul3A_23, %dma_wait3A_31] : memref<10240x64xf32, #tpu.memory_space<vmem_shared>> -> memref<640x64xf32, #tpu.memory_space<vmem_shared>>
      tpu.wait_dma2 semaphore(%run_scoped3A : memref<!tpu.dma_semaphore, #tpu.memory_space<semaphore_mem>>) src(%dma_wait3A_32 : memref<640x64xf32, #tpu.memory_space<vmem_shared>>) dst(%arg10 : memref<640x64xf32, #tpu.memory_space<vmem>>)
      tpu.yield
    }) : () -> ()
    %mul3A_24 = arith.constant 640 : i32
    %mul3A_25 = arith.muli %arg1, %mul3A_24 : i32
    "tpu.region"() ({
      %run_scoped3A = tpu.sem_alloc : memref<!tpu.dma_semaphore, #tpu.memory_space<semaphore_mem>>
      %dma_start3A_26 = arith.constant 0 : i32
      %dma_start3A_27 = tpu.memref_slice %arg5[%arg0, %mul3A_25, %dma_start3A_26] : memref<2x10240x64xf32, #tpu.memory_space<hbm>> -> memref<1x640x64xf32, #tpu.memory_space<hbm>>
      %dma_start3A_28 = tpu.memref_squeeze %dma_start3A_27 : memref<1x640x64xf32, #tpu.memory_space<hbm>> -> memref<640x64xf32, #tpu.memory_space<hbm>>
      %dma_start3A_29 = arith.constant 0 : i32
      %dma_start3A_30 = tpu.memref_slice %arg5[%arg0, %mul3A_25, %dma_start3A_29] : memref<2x10240x64xf32, #tpu.memory_space<hbm>> -> memref<1x640x64xf32, #tpu.memory_space<hbm>>
      %dma_start3A_31 = tpu.memref_squeeze %dma_start3A_30 : memref<1x640x64xf32, #tpu.memory_space<hbm>> -> memref<640x64xf32, #tpu.memory_space<hbm>>
      tpu.enqueue_dma source(%arg10 : memref<640x64xf32, #tpu.memory_space<vmem>>) target(%dma_start3A_31 : memref<640x64xf32, #tpu.memory_space<hbm>>) target_semaphore(%run_scoped3A : memref<!tpu.dma_semaphore, #tpu.memory_space<semaphore_mem>>)
      %dma_wait3A = arith.constant 0 : i32
      %dma_wait3A_32 = tpu.memref_slice %arg5[%arg0, %mul3A_25, %dma_wait3A] : memref<2x10240x64xf32, #tpu.memory_space<hbm>> -> memref<1x640x64xf32, #tpu.memory_space<hbm>>
      %dma_wait3A_33 = tpu.memref_squeeze %dma_wait3A_32 : memref<1x640x64xf32, #tpu.memory_space<hbm>> -> memref<640x64xf32, #tpu.memory_space<hbm>>
      %dma_wait3A_34 = arith.constant 0 : i32
      %dma_wait3A_35 = tpu.memref_slice %arg5[%arg0, %mul3A_25, %dma_wait3A_34] : memref<2x10240x64xf32, #tpu.memory_space<hbm>> -> memref<1x640x64xf32, #tpu.memory_space<hbm>>
      %dma_wait3A_36 = tpu.memref_squeeze %dma_wait3A_35 : memref<1x640x64xf32, #tpu.memory_space<hbm>> -> memref<640x64xf32, #tpu.memory_space<hbm>>
      tpu.wait_dma2 semaphore(%run_scoped3A : memref<!tpu.dma_semaphore, #tpu.memory_space<semaphore_mem>>) src(%arg10 : memref<640x64xf32, #tpu.memory_space<vmem>>) dst(%dma_wait3A_36 : memref<640x64xf32, #tpu.memory_space<hbm>>)
      tpu.yield
    }) : () -> ()
    return
  }
}

module attributes {stable_mosaic.version = 14 : i64} {
  func.func @_enc_body(%arg0: i32, %arg1: memref<1000x128xf32, #tpu.memory_space<vmem>>, %arg2: memref<128x64xf32, #tpu.memory_space<vmem>>, %arg3: memref<1x64xf32, #tpu.memory_space<vmem>>, %arg4: memref<1x64xf32, #tpu.memory_space<vmem>>, %arg5: memref<64x64xf32, #tpu.memory_space<vmem>>, %arg6: memref<1x64xf32, #tpu.memory_space<vmem>>, %arg7: memref<1x64xf32, #tpu.memory_space<vmem>>, %arg8: memref<1000x64xf32, #tpu.memory_space<vmem>>) attributes {dimension_semantics = [#tpu.dimension_semantics<arbitrary>], iteration_bounds = array<i64: 10>, scalar_prefetch = 0 : i64, scratch_operands = 0 : i64, tpu.core_type = #tpu.core_type<tc>, window_params = [{transform_indices = @transform_0, window_bounds = array<i64: 1000, 128>}, {pipeline_mode = #tpu.pipeline_mode<synchronous>, transform_indices = @transform_1, window_bounds = array<i64: 128, 64>}, {pipeline_mode = #tpu.pipeline_mode<synchronous>, transform_indices = @transform_2, window_bounds = array<i64: 1, 64>}, {pipeline_mode = #tpu.pipeline_mode<synchronous>, transform_indices = @transform_3, window_bounds = array<i64: 1, 64>}, {pipeline_mode = #tpu.pipeline_mode<synchronous>, transform_indices = @transform_4, window_bounds = array<i64: 64, 64>}, {pipeline_mode = #tpu.pipeline_mode<synchronous>, transform_indices = @transform_5, window_bounds = array<i64: 1, 64>}, {pipeline_mode = #tpu.pipeline_mode<synchronous>, transform_indices = @transform_6, window_bounds = array<i64: 1, 64>}, {transform_indices = @transform_7, window_bounds = array<i64: 1000, 64>}]} {
    %get3A = arith.constant 0 : index
    %get3A_0 = arith.constant 0 : index
    %get3A_1 = vector.load %arg1[%get3A, %get3A_0] : memref<1000x128xf32, #tpu.memory_space<vmem>>, vector<1000x128xf32>
    %get3A_2 = arith.constant 0 : index
    %get3A_3 = arith.constant 0 : index
    %get3A_4 = vector.load %arg2[%get3A_2, %get3A_3] : memref<128x64xf32, #tpu.memory_space<vmem>>, vector<128x64xf32>
    %dot_general3A = arith.constant dense<0.000000e+00> : vector<1000x64xf32>
    %dot_general3A_5 = tpu.matmul %get3A_1, %get3A_4, %dot_general3A {dimension_numbers = #tpu.dot_dimension_numbers<[1], [0], [0], [1], [0, 0, 1, 1], [], []>, transpose_lhs_hint = false} : vector<1000x128xf32>, vector<128x64xf32>, vector<1000x64xf32> -> vector<1000x64xf32>
    %get3A_6 = arith.constant 0 : index
    %get3A_7 = arith.constant 0 : index
    %get3A_8 = vector.load %arg3[%get3A_6, %get3A_7] : memref<1x64xf32, #tpu.memory_space<vmem>>, vector<1x64xf32>
    %mul3A = vector.broadcast %get3A_8 : vector<1x64xf32> to vector<1000x64xf32>
    %mul3A_9 = arith.mulf %dot_general3A_5, %mul3A : vector<1000x64xf32>
    %get3A_10 = arith.constant 0 : index
    %get3A_11 = arith.constant 0 : index
    %get3A_12 = vector.load %arg4[%get3A_10, %get3A_11] : memref<1x64xf32, #tpu.memory_space<vmem>>, vector<1x64xf32>
    %add3A = vector.broadcast %get3A_12 : vector<1x64xf32> to vector<1000x64xf32>
    %add3A_13 = arith.addf %mul3A_9, %add3A : vector<1000x64xf32>
    %max3A = arith.constant 0.000000e+00 : f32
    %max3A_14 = vector.broadcast %max3A : f32 to vector<1000x64xf32>
    %max3A_15 = arith.maximumf %add3A_13, %max3A_14 : vector<1000x64xf32>
    %get3A_16 = arith.constant 0 : index
    %get3A_17 = arith.constant 0 : index
    %get3A_18 = vector.load %arg5[%get3A_16, %get3A_17] : memref<64x64xf32, #tpu.memory_space<vmem>>, vector<64x64xf32>
    %dot_general3A_19 = arith.constant dense<0.000000e+00> : vector<1000x64xf32>
    %dot_general3A_20 = tpu.matmul %max3A_15, %get3A_18, %dot_general3A_19 {dimension_numbers = #tpu.dot_dimension_numbers<[1], [0], [0], [1], [0, 0, 1, 1], [], []>, transpose_lhs_hint = false} : vector<1000x64xf32>, vector<64x64xf32>, vector<1000x64xf32> -> vector<1000x64xf32>
    %get3A_21 = arith.constant 0 : index
    %get3A_22 = arith.constant 0 : index
    %get3A_23 = vector.load %arg6[%get3A_21, %get3A_22] : memref<1x64xf32, #tpu.memory_space<vmem>>, vector<1x64xf32>
    %mul3A_24 = vector.broadcast %get3A_23 : vector<1x64xf32> to vector<1000x64xf32>
    %mul3A_25 = arith.mulf %dot_general3A_20, %mul3A_24 : vector<1000x64xf32>
    %get3A_26 = arith.constant 0 : index
    %get3A_27 = arith.constant 0 : index
    %get3A_28 = vector.load %arg7[%get3A_26, %get3A_27] : memref<1x64xf32, #tpu.memory_space<vmem>>, vector<1x64xf32>
    %add3A_29 = vector.broadcast %get3A_28 : vector<1x64xf32> to vector<1000x64xf32>
    %add3A_30 = arith.addf %mul3A_25, %add3A_29 : vector<1000x64xf32>
    %max3A_31 = arith.constant 0.000000e+00 : f32
    %max3A_32 = vector.broadcast %max3A_31 : f32 to vector<1000x64xf32>
    %max3A_33 = arith.maximumf %add3A_30, %max3A_32 : vector<1000x64xf32>
    %swap3A = arith.constant 0 : index
    %swap3A_34 = arith.constant 0 : index
    %swap3A_35 = vector.load %arg8[%swap3A, %swap3A_34] : memref<1000x64xf32, #tpu.memory_space<vmem>>, vector<1000x64xf32>
    tpu.vector_store %arg8[%swap3A, %swap3A_34], %max3A_33 {strides = array<i32>} : memref<1000x64xf32, #tpu.memory_space<vmem>>, vector<1000x64xf32>,
    return
  }
  func.func @transform_0(%arg0: i32) -> (i32, i32) {
    %c0_i32 = arith.constant 0 : i32
    %c0_i32_0 = arith.constant 0 : i32
    return %arg0, %c0_i32 : i32, i32
  }
  func.func @transform_1(%arg0: i32) -> (i32, i32) {
    %c0_i32 = arith.constant 0 : i32
    %c0_i32_0 = arith.constant 0 : i32
    %c0_i32_1 = arith.constant 0 : i32
    return %c0_i32, %c0_i32_0 : i32, i32
  }
  func.func @transform_2(%arg0: i32) -> (i32, i32) {
    %c0_i32 = arith.constant 0 : i32
    %c0_i32_0 = arith.constant 0 : i32
    %c0_i32_1 = arith.constant 0 : i32
    return %c0_i32, %c0_i32_0 : i32, i32
  }
  func.func @transform_3(%arg0: i32) -> (i32, i32) {
    %c0_i32 = arith.constant 0 : i32
    %c0_i32_0 = arith.constant 0 : i32
    %c0_i32_1 = arith.constant 0 : i32
    return %c0_i32, %c0_i32_0 : i32, i32
  }
  func.func @transform_4(%arg0: i32) -> (i32, i32) {
    %c0_i32 = arith.constant 0 : i32
    %c0_i32_0 = arith.constant 0 : i32
    %c0_i32_1 = arith.constant 0 : i32
    return %c0_i32, %c0_i32_0 : i32, i32
  }
  func.func @transform_5(%arg0: i32) -> (i32, i32) {
    %c0_i32 = arith.constant 0 : i32
    %c0_i32_0 = arith.constant 0 : i32
    %c0_i32_1 = arith.constant 0 : i32
    return %c0_i32, %c0_i32_0 : i32, i32
  }
  func.func @transform_6(%arg0: i32) -> (i32, i32) {
    %c0_i32 = arith.constant 0 : i32
    %c0_i32_0 = arith.constant 0 : i32
    %c0_i32_1 = arith.constant 0 : i32
    return %c0_i32, %c0_i32_0 : i32, i32
  }
  func.func @transform_7(%arg0: i32) -> (i32, i32) {
    %c0_i32 = arith.constant 0 : i32
    %c0_i32_0 = arith.constant 0 : i32
    return %arg0, %c0_i32 : i32, i32
  }
}

module attributes {stable_mosaic.version = 14 : i64} {
  func.func @_scale_body(%arg0: i32, %arg1: memref<1000x64xf32, #tpu.memory_space<vmem>>, %arg2: memref<64x64xf32, #tpu.memory_space<vmem>>, %arg3: memref<2x1000x16xf32, #tpu.memory_space<vmem>>, %arg4: memref<1000x64xf32, #tpu.memory_space<vmem>>) attributes {dimension_semantics = [#tpu.dimension_semantics<arbitrary>], iteration_bounds = array<i64: 10>, scalar_prefetch = 0 : i64, scratch_operands = 0 : i64, tpu.core_type = #tpu.core_type<tc>, window_params = [{transform_indices = @transform_0, window_bounds = array<i64: 1000, 64>}, {pipeline_mode = #tpu.pipeline_mode<synchronous>, transform_indices = @transform_1, window_bounds = array<i64: 64, 64>}, {transform_indices = @transform_2, window_bounds = array<i64: 2, 1000, 16>}, {transform_indices = @transform_3, window_bounds = array<i64: 1000, 64>}]} {
    %get3A = arith.constant 0 : index
    %get3A_0 = arith.constant 0 : index
    %get3A_1 = vector.load %arg1[%get3A, %get3A_0] : memref<1000x64xf32, #tpu.memory_space<vmem>>, vector<1000x64xf32>
    %get3A_2 = arith.constant 0 : index
    %get3A_3 = arith.constant 0 : index
    %get3A_4 = vector.load %arg2[%get3A_2, %get3A_3] : memref<64x64xf32, #tpu.memory_space<vmem>>, vector<64x64xf32>
    %dot_general3A = arith.constant dense<0.000000e+00> : vector<1000x64xf32>
    %dot_general3A_5 = tpu.matmul %get3A_1, %get3A_4, %dot_general3A {dimension_numbers = #tpu.dot_dimension_numbers<[1], [0], [0], [1], [0, 0, 1, 1], [], []>, transpose_lhs_hint = false} : vector<1000x64xf32>, vector<64x64xf32>, vector<1000x64xf32> -> vector<1000x64xf32>
    %get3A_6 = arith.constant 0 : index
    %get3A_7 = arith.constant 0 : index
    %get3A_8 = arith.constant 0 : index
    %get3A_9 = vector.load %arg3[%get3A_6, %get3A_7, %get3A_8] : memref<2x1000x16xf32, #tpu.memory_space<vmem>>, vector<1x1000x16xf32>
    %get3A_10 = vector.shape_cast %get3A_9 : vector<1x1000x16xf32> to vector<1000x16xf32>
    %get3A_11 = arith.constant 1 : index
    %get3A_12 = arith.constant 0 : index
    %get3A_13 = arith.constant 0 : index
    %get3A_14 = vector.load %arg3[%get3A_11, %get3A_12, %get3A_13] : memref<2x1000x16xf32, #tpu.memory_space<vmem>>, vector<1x1000x16xf32>
    %get3A_15 = vector.shape_cast %get3A_14 : vector<1x1000x16xf32> to vector<1000x16xf32>
    %add3A = arith.addf %get3A_10, %get3A_15 : vector<1000x16xf32>
    %add3A_16 = arith.constant 1.000000e+00 : f32
    %add3A_17 = vector.broadcast %add3A_16 : f32 to vector<1000x16xf32>
    %add3A_18 = arith.addf %add3A, %add3A_17 : vector<1000x16xf32>
    %rsqrt3A = math.rsqrt %add3A_18 : vector<1000x16xf32>
    %slice3A = vector.extract_strided_slice %rsqrt3A {offsets = [0, 0], sizes = [1000, 1], strides = [1, 1]} : vector<1000x16xf32> to vector<1000x1xf32>
    %mul3A = vector.broadcast %slice3A : vector<1000x1xf32> to vector<1000x64xf32>
    %mul3A_19 = arith.mulf %dot_general3A_5, %mul3A : vector<1000x64xf32>
    %swap3A = arith.constant 0 : index
    %swap3A_20 = arith.constant 0 : index
    %swap3A_21 = vector.load %arg4[%swap3A, %swap3A_20] : memref<1000x64xf32, #tpu.memory_space<vmem>>, vector<1000x64xf32>
    tpu.vector_store %arg4[%swap3A, %swap3A_20], %mul3A_19 {strides = array<i32>} : memref<1000x64xf32, #tpu.memory_space<vmem>>, vector<1000x64xf32>,
    return
  }
  func.func @transform_0(%arg0: i32) -> (i32, i32) {
    %c0_i32 = arith.constant 0 : i32
    %c0_i32_0 = arith.constant 0 : i32
    return %arg0, %c0_i32 : i32, i32
  }
  func.func @transform_1(%arg0: i32) -> (i32, i32) {
    %c0_i32 = arith.constant 0 : i32
    %c0_i32_0 = arith.constant 0 : i32
    %c0_i32_1 = arith.constant 0 : i32
    return %c0_i32, %c0_i32_0 : i32, i32
  }
  func.func @transform_2(%arg0: i32) -> (i32, i32, i32) {
    %c0_i32 = arith.constant 0 : i32
    %c0_i32_0 = arith.constant 0 : i32
    %c0_i32_1 = arith.constant 0 : i32
    return %c0_i32, %arg0, %c0_i32_0 : i32, i32, i32
  }
  func.func @transform_3(%arg0: i32) -> (i32, i32) {
    %c0_i32 = arith.constant 0 : i32
    %c0_i32_0 = arith.constant 0 : i32
    return %arg0, %c0_i32 : i32, i32
  }
}

module attributes {stable_mosaic.version = 14 : i64} {
  func.func @_mid_body(%arg0: i32, %arg1: memref<2x1000x64xf32, #tpu.memory_space<vmem>>, %arg2: memref<1000x64xf32, #tpu.memory_space<vmem>>, %arg3: memref<2x1000x16xf32, #tpu.memory_space<vmem>>, %arg4: memref<1x64xf32, #tpu.memory_space<vmem>>, %arg5: memref<64x64xf32, #tpu.memory_space<vmem>>, %arg6: memref<1000x64xf32, #tpu.memory_space<vmem>>) attributes {dimension_semantics = [#tpu.dimension_semantics<arbitrary>], iteration_bounds = array<i64: 10>, scalar_prefetch = 0 : i64, scratch_operands = 0 : i64, tpu.core_type = #tpu.core_type<tc>, window_params = [{transform_indices = @transform_0, window_bounds = array<i64: 2, 1000, 64>}, {transform_indices = @transform_1, window_bounds = array<i64: 1000, 64>}, {transform_indices = @transform_2, window_bounds = array<i64: 2, 1000, 16>}, {pipeline_mode = #tpu.pipeline_mode<synchronous>, transform_indices = @transform_3, window_bounds = array<i64: 1, 64>}, {pipeline_mode = #tpu.pipeline_mode<synchronous>, transform_indices = @transform_4, window_bounds = array<i64: 64, 64>}, {transform_indices = @transform_5, window_bounds = array<i64: 1000, 64>}]} {
    %get3A = arith.constant 0 : index
    %get3A_0 = arith.constant 0 : index
    %get3A_1 = arith.constant 0 : index
    %get3A_2 = vector.load %arg3[%get3A, %get3A_0, %get3A_1] : memref<2x1000x16xf32, #tpu.memory_space<vmem>>, vector<1x1000x16xf32>
    %get3A_3 = vector.shape_cast %get3A_2 : vector<1x1000x16xf32> to vector<1000x16xf32>
    %get3A_4 = arith.constant 1 : index
    %get3A_5 = arith.constant 0 : index
    %get3A_6 = arith.constant 0 : index
    %get3A_7 = vector.load %arg3[%get3A_4, %get3A_5, %get3A_6] : memref<2x1000x16xf32, #tpu.memory_space<vmem>>, vector<1x1000x16xf32>
    %get3A_8 = vector.shape_cast %get3A_7 : vector<1x1000x16xf32> to vector<1000x16xf32>
    %add3A = arith.addf %get3A_3, %get3A_8 : vector<1000x16xf32>
    %add3A_9 = arith.constant 1.000000e+00 : f32
    %add3A_10 = vector.broadcast %add3A_9 : f32 to vector<1000x16xf32>
    %add3A_11 = arith.addf %add3A, %add3A_10 : vector<1000x16xf32>
    %rsqrt3A = math.rsqrt %add3A_11 : vector<1000x16xf32>
    %slice3A = vector.extract_strided_slice %rsqrt3A {offsets = [0, 0], sizes = [1000, 1], strides = [1, 1]} : vector<1000x16xf32> to vector<1000x1xf32>
    %get3A_12 = arith.constant 0 : index
    %get3A_13 = arith.constant 0 : index
    %get3A_14 = arith.constant 0 : index
    %get3A_15 = vector.load %arg1[%get3A_12, %get3A_13, %get3A_14] : memref<2x1000x64xf32, #tpu.memory_space<vmem>>, vector<1x1000x64xf32>
    %get3A_16 = vector.shape_cast %get3A_15 : vector<1x1000x64xf32> to vector<1000x64xf32>
    %get3A_17 = arith.constant 1 : index
    %get3A_18 = arith.constant 0 : index
    %get3A_19 = arith.constant 0 : index
    %get3A_20 = vector.load %arg1[%get3A_17, %get3A_18, %get3A_19] : memref<2x1000x64xf32, #tpu.memory_space<vmem>>, vector<1x1000x64xf32>
    %get3A_21 = vector.shape_cast %get3A_20 : vector<1x1000x64xf32> to vector<1000x64xf32>
    %add3A_22 = arith.addf %get3A_16, %get3A_21 : vector<1000x64xf32>
    %get3A_23 = arith.constant 0 : index
    %get3A_24 = arith.constant 0 : index
    %get3A_25 = vector.load %arg2[%get3A_23, %get3A_24] : memref<1000x64xf32, #tpu.memory_space<vmem>>, vector<1000x64xf32>
    %add3A_26 = arith.addf %add3A_22, %get3A_25 : vector<1000x64xf32>
    %mul3A = vector.broadcast %slice3A : vector<1000x1xf32> to vector<1000x64xf32>
    %mul3A_27 = arith.mulf %add3A_26, %mul3A : vector<1000x64xf32>
    %get3A_28 = arith.constant 0 : index
    %get3A_29 = arith.constant 0 : index
    %get3A_30 = vector.load %arg4[%get3A_28, %get3A_29] : memref<1x64xf32, #tpu.memory_space<vmem>>, vector<1x64xf32>
    %add3A_31 = vector.broadcast %get3A_30 : vector<1x64xf32> to vector<1000x64xf32>
    %add3A_32 = arith.addf %mul3A_27, %add3A_31 : vector<1000x64xf32>
    %max3A = arith.constant 0.000000e+00 : f32
    %max3A_33 = vector.broadcast %max3A : f32 to vector<1000x64xf32>
    %max3A_34 = arith.maximumf %add3A_32, %max3A_33 : vector<1000x64xf32>
    %get3A_35 = arith.constant 0 : index
    %get3A_36 = arith.constant 0 : index
    %get3A_37 = vector.load %arg5[%get3A_35, %get3A_36] : memref<64x64xf32, #tpu.memory_space<vmem>>, vector<64x64xf32>
    %dot_general3A = arith.constant dense<0.000000e+00> : vector<1000x64xf32>
    %dot_general3A_38 = tpu.matmul %max3A_34, %get3A_37, %dot_general3A {dimension_numbers = #tpu.dot_dimension_numbers<[1], [0], [0], [1], [0, 0, 1, 1], [], []>, transpose_lhs_hint = false} : vector<1000x64xf32>, vector<64x64xf32>, vector<1000x64xf32> -> vector<1000x64xf32>
    %mul3A_39 = vector.broadcast %slice3A : vector<1000x1xf32> to vector<1000x64xf32>
    %mul3A_40 = arith.mulf %dot_general3A_38, %mul3A_39 : vector<1000x64xf32>
    %swap3A = arith.constant 0 : index
    %swap3A_41 = arith.constant 0 : index
    %swap3A_42 = vector.load %arg6[%swap3A, %swap3A_41] : memref<1000x64xf32, #tpu.memory_space<vmem>>, vector<1000x64xf32>
    tpu.vector_store %arg6[%swap3A, %swap3A_41], %mul3A_40 {strides = array<i32>} : memref<1000x64xf32, #tpu.memory_space<vmem>>, vector<1000x64xf32>,
    return
  }
  func.func @transform_0(%arg0: i32) -> (i32, i32, i32) {
    %c0_i32 = arith.constant 0 : i32
    %c0_i32_0 = arith.constant 0 : i32
    %c0_i32_1 = arith.constant 0 : i32
    return %c0_i32, %arg0, %c0_i32_0 : i32, i32, i32
  }
  func.func @transform_1(%arg0: i32) -> (i32, i32) {
    %c0_i32 = arith.constant 0 : i32
    %c0_i32_0 = arith.constant 0 : i32
    return %arg0, %c0_i32 : i32, i32
  }
  func.func @transform_2(%arg0: i32) -> (i32, i32, i32) {
    %c0_i32 = arith.constant 0 : i32
    %c0_i32_0 = arith.constant 0 : i32
    %c0_i32_1 = arith.constant 0 : i32
    return %c0_i32, %arg0, %c0_i32_0 : i32, i32, i32
  }
  func.func @transform_3(%arg0: i32) -> (i32, i32) {
    %c0_i32 = arith.constant 0 : i32
    %c0_i32_0 = arith.constant 0 : i32
    %c0_i32_1 = arith.constant 0 : i32
    return %c0_i32, %c0_i32_0 : i32, i32
  }
  func.func @transform_4(%arg0: i32) -> (i32, i32) {
    %c0_i32 = arith.constant 0 : i32
    %c0_i32_0 = arith.constant 0 : i32
    %c0_i32_1 = arith.constant 0 : i32
    return %c0_i32, %c0_i32_0 : i32, i32
  }
  func.func @transform_5(%arg0: i32) -> (i32, i32) {
    %c0_i32 = arith.constant 0 : i32
    %c0_i32_0 = arith.constant 0 : i32
    return %arg0, %c0_i32 : i32, i32
  }
}

module attributes {stable_mosaic.version = 14 : i64} {
  func.func @_final_body(%arg0: i32, %arg1: memref<2x1000x64xf32, #tpu.memory_space<vmem>>, %arg2: memref<1000x64xf32, #tpu.memory_space<vmem>>, %arg3: memref<2x1000x16xf32, #tpu.memory_space<vmem>>, %arg4: memref<1x64xf32, #tpu.memory_space<vmem>>, %arg5: memref<1000x64xf32, #tpu.memory_space<vmem>>) attributes {dimension_semantics = [#tpu.dimension_semantics<arbitrary>], iteration_bounds = array<i64: 10>, scalar_prefetch = 0 : i64, scratch_operands = 0 : i64, tpu.core_type = #tpu.core_type<tc>, window_params = [{transform_indices = @transform_0, window_bounds = array<i64: 2, 1000, 64>}, {transform_indices = @transform_1, window_bounds = array<i64: 1000, 64>}, {transform_indices = @transform_2, window_bounds = array<i64: 2, 1000, 16>}, {pipeline_mode = #tpu.pipeline_mode<synchronous>, transform_indices = @transform_3, window_bounds = array<i64: 1, 64>}, {transform_indices = @transform_4, window_bounds = array<i64: 1000, 64>}]} {
    %get3A = arith.constant 0 : index
    %get3A_0 = arith.constant 0 : index
    %get3A_1 = arith.constant 0 : index
    %get3A_2 = vector.load %arg3[%get3A, %get3A_0, %get3A_1] : memref<2x1000x16xf32, #tpu.memory_space<vmem>>, vector<1x1000x16xf32>
    %get3A_3 = vector.shape_cast %get3A_2 : vector<1x1000x16xf32> to vector<1000x16xf32>
    %get3A_4 = arith.constant 1 : index
    %get3A_5 = arith.constant 0 : index
    %get3A_6 = arith.constant 0 : index
    %get3A_7 = vector.load %arg3[%get3A_4, %get3A_5, %get3A_6] : memref<2x1000x16xf32, #tpu.memory_space<vmem>>, vector<1x1000x16xf32>
    %get3A_8 = vector.shape_cast %get3A_7 : vector<1x1000x16xf32> to vector<1000x16xf32>
    %add3A = arith.addf %get3A_3, %get3A_8 : vector<1000x16xf32>
    %add3A_9 = arith.constant 1.000000e+00 : f32
    %add3A_10 = vector.broadcast %add3A_9 : f32 to vector<1000x16xf32>
    %add3A_11 = arith.addf %add3A, %add3A_10 : vector<1000x16xf32>
    %rsqrt3A = math.rsqrt %add3A_11 : vector<1000x16xf32>
    %slice3A = vector.extract_strided_slice %rsqrt3A {offsets = [0, 0], sizes = [1000, 1], strides = [1, 1]} : vector<1000x16xf32> to vector<1000x1xf32>
    %get3A_12 = arith.constant 0 : index
    %get3A_13 = arith.constant 0 : index
    %get3A_14 = arith.constant 0 : index
    %get3A_15 = vector.load %arg1[%get3A_12, %get3A_13, %get3A_14] : memref<2x1000x64xf32, #tpu.memory_space<vmem>>, vector<1x1000x64xf32>
    %get3A_16 = vector.shape_cast %get3A_15 : vector<1x1000x64xf32> to vector<1000x64xf32>
    %get3A_17 = arith.constant 1 : index
    %get3A_18 = arith.constant 0 : index
    %get3A_19 = arith.constant 0 : index
    %get3A_20 = vector.load %arg1[%get3A_17, %get3A_18, %get3A_19] : memref<2x1000x64xf32, #tpu.memory_space<vmem>>, vector<1x1000x64xf32>
    %get3A_21 = vector.shape_cast %get3A_20 : vector<1x1000x64xf32> to vector<1000x64xf32>
    %add3A_22 = arith.addf %get3A_16, %get3A_21 : vector<1000x64xf32>
    %get3A_23 = arith.constant 0 : index
    %get3A_24 = arith.constant 0 : index
    %get3A_25 = vector.load %arg2[%get3A_23, %get3A_24] : memref<1000x64xf32, #tpu.memory_space<vmem>>, vector<1000x64xf32>
    %add3A_26 = arith.addf %add3A_22, %get3A_25 : vector<1000x64xf32>
    %mul3A = vector.broadcast %slice3A : vector<1000x1xf32> to vector<1000x64xf32>
    %mul3A_27 = arith.mulf %add3A_26, %mul3A : vector<1000x64xf32>
    %get3A_28 = arith.constant 0 : index
    %get3A_29 = arith.constant 0 : index
    %get3A_30 = vector.load %arg4[%get3A_28, %get3A_29] : memref<1x64xf32, #tpu.memory_space<vmem>>, vector<1x64xf32>
    %add3A_31 = vector.broadcast %get3A_30 : vector<1x64xf32> to vector<1000x64xf32>
    %add3A_32 = arith.addf %mul3A_27, %add3A_31 : vector<1000x64xf32>
    %max3A = arith.constant 0.000000e+00 : f32
    %max3A_33 = vector.broadcast %max3A : f32 to vector<1000x64xf32>
    %max3A_34 = arith.maximumf %add3A_32, %max3A_33 : vector<1000x64xf32>
    %swap3A = arith.constant 0 : index
    %swap3A_35 = arith.constant 0 : index
    %swap3A_36 = vector.load %arg5[%swap3A, %swap3A_35] : memref<1000x64xf32, #tpu.memory_space<vmem>>, vector<1000x64xf32>
    tpu.vector_store %arg5[%swap3A, %swap3A_35], %max3A_34 {strides = array<i32>} : memref<1000x64xf32, #tpu.memory_space<vmem>>, vector<1000x64xf32>,
    return
  }
  func.func @transform_0(%arg0: i32) -> (i32, i32, i32) {
    %c0_i32 = arith.constant 0 : i32
    %c0_i32_0 = arith.constant 0 : i32
    %c0_i32_1 = arith.constant 0 : i32
    return %c0_i32, %arg0, %c0_i32_0 : i32, i32, i32
  }
  func.func @transform_1(%arg0: i32) -> (i32, i32) {
    %c0_i32 = arith.constant 0 : i32
    %c0_i32_0 = arith.constant 0 : i32
    return %arg0, %c0_i32 : i32, i32
  }
  func.func @transform_2(%arg0: i32) -> (i32, i32, i32) {
    %c0_i32 = arith.constant 0 : i32
    %c0_i32_0 = arith.constant 0 : i32
    %c0_i32_1 = arith.constant 0 : i32
    return %c0_i32, %arg0, %c0_i32_0 : i32, i32, i32
  }
  func.func @transform_3(%arg0: i32) -> (i32, i32) {
    %c0_i32 = arith.constant 0 : i32
    %c0_i32_0 = arith.constant 0 : i32
    %c0_i32_1 = arith.constant 0 : i32
    return %c0_i32, %c0_i32_0 : i32, i32
  }
  func.func @transform_4(%arg0: i32) -> (i32, i32) {
    %c0_i32 = arith.constant 0 : i32
    %c0_i32_0 = arith.constant 0 : i32
    return %arg0, %c0_i32 : i32, i32
  }
}

</mosaic_0001>

<sc_bundles>
// kernel: kernel.12.cloned.1.call-start
scs
__scs_entry_jumppad:
0x0: {  	(pc) =	sbr.rel $0x88, $3  }
0x1: {  	(tag) =	ssettag $0x0;
	lr =	simm.s32 $0x1  }
0x2: {  	[smem:$0x3F93] =	sst lr;
	_ =	strace $0xD0000000  }
0x3: {  	_ = 	snop  }
0x4: {  	_ = 	snop  }
0x5: {  	_ = 	snop  }
0x6: {  	_ = 	snop  }
0x7: {  	_ = 	snop  }
__scs_overlays_trampoline_lowered:
0x8: {  	[smem:$0x3FA2] =	sst s0  }
0x9: {  	[smem:$0x3FA3] =	sst s1  }
0xa: {  	[smem:$0x3FA4] =	sst s2  }
0xb: {  	[smem:$0x3FA5] =	sst s3  }
0xc: {  	[smem:$0x3FA6] =	sst s4  }
0xd: {  	[smem:$0x3FA7] =	sst s5  }
0xe: {  	[smem:$0x3FA8] =	sst s6  }
0xf: {  	[smem:$0x3FA9] =	sst s7  }
0x10: {  	[smem:$0x3FAA] =	sst s8  }
0x11: {  	[smem:$0x3FAB] =	sst s9;
	s0 =	simm.s32 @!p0 $0x0  }
0x12: {  	s1 =	sld [smem:$0x3F91];
	s0 =	simm.s32 @p0 $0x1  }
0x13: {  	[smem:$0x3FAC] =	sst s0;
	s0 =	simm.s32 @!p1 $0x0  }
0x14: {  	s2 =	sld [smem:$0x3F90];
	s0 =	simm.s32 @p1 $0x1  }
0x15: {  	[smem:$0x3FAD] =	sst s0;
	s0 =	simm.s32 @!p2 $0x0  }
0x16: {  	s3 =	sld [smem:$0x3FDB];
	s0 =	simm.s32 @p2 $0x1  }
0x17: {  	s4 =	simm.s32 $0x1BF5;
	[smem:$0x3FAF] =	sst s0  }
0x18: {  	s0 =	sld [smem:$0x3F92];
	_ =	swait.ge [sflag:s4], $0x0  }
0x19: {  	s7 =	sld [smem:$0x3F93]  }
0x1a: {  	s8 =	sadd.s32 $0xFFFFE003, lr  }
0x1b: {  	s9 =	sadd.s32 $0xFFFFFEF7, lr;
	s5 =	simm.s32 $0xFFFFFFFF;
	p2 =	slt.u32 s8, $0xFFFFF086  }
0x1c: {  	p1 =	slt.u32 s9, $0xF7A;
	s5 =	simm.s32 @!p2 $0x0  }
0x1d: {  	s5 =	simm.s32 @p1 $0x1;
	p0 =	seq.s32 s7, s2  }
0x1e: {  	s7 =	smul.u32 @!p0 $0xF7A, s2;
	p2 =	seq.s32 @!p0 s5, $0x0  }
0x1f: {  	s9 =	smul.u32 $0xF7A, s1;
	s8 =	simm.s32 @!p0 $0x1BF5;
	p2 =	por !p2, p0  }
0x20: {  	[sflag:s8] =	ssyncset.s32 @!p0 $0xFFFFF086;
	s6 =	sadd.s32 @!p0 s3, s7;
	s7 =	simm.s32 @!p0 $0x108  }
0x21: {  	s3 =	sadd.s32 s3, s9;
	s6 =	sadd.s32 @!p0 $0x88, s6;
	s7 =	simm.s32 @p2 $0x1082  }
0x22: {  	[simem:s7], [sflag:s8] =	dma.local @!p0 [hbm:s6], $0xF7A  }
0x23: {  	s9 =	sor.u32 $0xD0000000, s2;
	s6 =	simm.s32 $0x108;
	_ =	swait.ge @!p0 [sflag:s8], $0x0  }
0x24: {  	s3 =	sadd.s32 $0x88, s3;
	s6 =	simm.s32 @!p1 $0x1082;
	[sflag:s4] =	ssyncset.s32 $0xFFFFF086  }
0x25: {  	[simem:s6], [sflag:s4] =	dma.local [hbm:s3], $0xF7A  }
0x26: {  	[smem:$0x3F93] =	sst s1;
	(tag) =	ssettag s2;
	_ =	strace s9  }
0x27: {  	s1 =	sld [smem:$0x3FA3]  }
0x28: {  	s2 =	sld [smem:$0x3FA4]  }
0x29: {  	s4 =	sld [smem:$0x3FA6]  }
0x2a: {  	p0 =	seq.s32 s5, $0x0;
	s5 =	sld [smem:$0x3FA7]  }
0x2b: {  	s6 =	sld [smem:$0x3FA8]  }
0x2c: {  	s7 =	sld [smem:$0x3FA9]  }
0x2d: {  	s3 =	simm.s32 $0x108;
	s8 =	sld [smem:$0x3FAA]  }
0x2e: {  	s3 =	simm.s32 @!p0 $0x1082;
	s9 =	sld [smem:$0x3FAB]  }
0x2f: {  	lr =	sadd.s32 s0, s3;
	s0 =	sld [smem:$0x3FA2]  }
0x30: {  	s3 =	sld [smem:$0x3FA5]  }
0x31: {  	[smem:$0x3FAE] =	sst s10  }
0x32: {  	s10 =	sld [smem:$0x3FAC];
	_ =	sdelay $0x3  }
0x33: {  	p0 =	seq.s32 s10, $0x1;
	s10 =	sld [smem:$0x3FAE];
	_ =	sdelay $0x3  }
0x34: {  	[smem:$0x3FAE] =	sst s10  }
0x35: {  	s10 =	sld [smem:$0x3FAD];
	_ =	sdelay $0x3  }
0x36: {  	p1 =	seq.s32 s10, $0x1;
	s10 =	sld [smem:$0x3FAE];
	_ =	sdelay $0x3  }
0x37: {  	[smem:$0x3FAE] =	sst s10  }
0x38: {  	s10 =	sld [smem:$0x3FAF]  }
0x39: {  	_ = 	snop;
	(pc) =	sbr.ind lr, $3  }
0x3a: {  	_ = 	snop  }
0x3b: {  	_ = 	snop  }
0x3c: {  	p2 =	seq.s32 s10, $0x1;
	s10 =	sld [smem:$0x3FAE]  }
0x3d: {  	_ =	shalt  }
0x3e: {  	_ =	shalt  }
0x3f: {  	_ =	shalt  }
0x40: {  	_ =	shalt  }
0x41: {  	_ =	shalt  }
0x42: {  	_ =	shalt  }
0x43: {  	_ =	shalt  }
0x44: {  	_ =	shalt  }
0x45: {  	_ =	shalt  }
0x46: {  	_ =	shalt  }
0x47: {  	_ =	shalt  }
0x48: {  	_ =	shalt  }
0x49: {  	_ =	shalt  }
0x4a: {  	_ =	shalt  }
0x4b: {  	_ =	shalt  }
0x4c: {  	_ =	shalt  }
0x4d: {  	_ =	shalt  }
0x4e: {  	_ =	shalt  }
0x4f: {  	_ =	shalt  }
0x50: {  	_ =	shalt  }
0x51: {  	_ =	shalt  }
0x52: {  	_ =	shalt  }
0x53: {  	_ =	shalt  }
0x54: {  	_ =	shalt  }
0x55: {  	_ =	shalt  }
0x56: {  	_ =	shalt  }
0x57: {  	_ =	shalt  }
0x58: {  	_ =	shalt  }
0x59: {  	_ =	shalt  }
0x5a: {  	_ =	shalt  }
0x5b: {  	_ =	shalt  }
0x5c: {  	_ =	shalt  }
0x5d: {  	_ =	shalt  }
0x5e: {  	_ =	shalt  }
0x5f: {  	_ =	shalt  }
0x60: {  	_ =	shalt  }
0x61: {  	_ =	shalt  }
0x62: {  	_ =	shalt  }
0x63: {  	_ =	shalt  }
0x64: {  	_ =	shalt  }
0x65: {  	_ =	shalt  }
0x66: {  	_ =	shalt  }
0x67: {  	_ =	shalt  }
0x68: {  	_ =	shalt  }
0x69: {  	_ =	shalt  }
0x6a: {  	_ =	shalt  }
0x6b: {  	_ =	shalt  }
0x6c: {  	_ =	shalt  }
0x6d: {  	_ =	shalt  }
0x6e: {  	_ =	shalt  }
0x6f: {  	_ =	shalt  }
0x70: {  	_ =	shalt  }
0x71: {  	_ =	shalt  }
0x72: {  	_ =	shalt  }
0x73: {  	_ =	shalt  }
0x74: {  	_ =	shalt  }
0x75: {  	_ =	shalt  }
0x76: {  	_ =	shalt  }
0x77: {  	_ =	shalt  }
0x78: {  	_ =	shalt  }
0x79: {  	_ =	shalt  }
0x7a: {  	_ =	shalt  }
0x7b: {  	_ =	shalt  }
0x7c: {  	_ =	shalt  }
0x7d: {  	_ =	shalt  }
0x7e: {  	_ =	shalt  }
0x7f: {  	_ =	shalt  }
0x80: {  	_ =	shalt  }
0x81: {  	_ =	shalt  }
0x82: {  	_ =	shalt  }
0x83: {  	_ =	shalt  }
0x84: {  	_ =	shalt  }
0x85: {  	_ =	shalt  }
0x86: {  	_ =	shalt  }
0x87: {  	_ =	shalt  }
.Lfunc_end0:
.L_simem_size_0:
called_computation.1_lowered:
.L_overlay_start_0:
0x88: {  	s2 =	sld [smem:$0x3FD9]  }
0x89: {  	s3 =	sld [smem:$0x3FFE];
	_ =	sdelay $0x1  }
0x8a: {  	s1 =	srdreg.scid  }
0x8b: {  	s0 =	sand.u32 $0x1, s1  }
0x8c: {  	s17 =	sshll.u32 s0, $0xA;
	s2 =	sadd.s32 s3, s2  }
0x8d: {  	s2 =	sadd.s32 s2, s17  }
0x8e: {  	[smem:$0x3FBA] =	sst s2  }
0x8f: {  	_ = 	snop  }
0x90: {  	s2 =	sld [smem:$0x3FD0];
	(tm) =	ssettm $0x1  }
0x91: {  	s18 =	sld [smem:$0x3FFB];
	_ =	sdelay $0x3  }
0x92: {  	_ =	strace s18  }
0x93: {  	s3 =	sld [smem:$0x3FFC];
	_ =	sdelay $0x3  }
0x94: {  	_ =	strace s3  }
0x95: {  	s3 =	sld [smem:$0x3FFD];
	_ =	sdelay $0x3  }
0x96: {  	_ =	strace s3  }
0x97: {  	_ =	strace $0x8FFFFFFF  }
0x98: {  	s19 =	sld [smem:$0x3FDB];
	_ =	sdelay $0x1  }
0x99: {  	s4 =	simm.s32 $_scs_section_size  }
0x9a: {  	s5 =	simm.s32 $_size__tile_overlayer_lowered;
	s6 =	simm.s32 $_tile_overlayer_lowered  }
0x9b: {  	s22 =	simm.s32 $0x1BFF;
	s21 =	sshll.u32 s6, $0x1;
	s3 =	sadd.s32 s4, s19  }
0x9c: {  	s7 =	simm.s32 $0x0;
	s20 =	sshll.u32 s5, $0x1;
	s5 =	sadd.s32 s21, s3  }
0x9d: {  	[timem:s7], [sflag:s22] =	dma.local [hbm:s5], s20  }
0x9e: {  	_ =	swait.ge [sflag:s22], s20  }
0x9f: {  	s4 =	ssub.s32 $0x0, s20;
	[sflag:s22] =	ssyncset.done $0x0  }
0xa0: {  	[sflag:s22] =	ssyncadd.s32 s4;
	_ =	sdelay $0x1  }
0xa1: {  	s23 =	simm.s32 $0x1B8B  }
0xa2: {  	_ =	swait.ge [sflag:s23], $0x1  }
0xa3: {  	[sflag:s23] =	ssyncset.done $0x0  }
0xa4: {  	s25 =	simm.s32 $0x1B8E;
	s24 =	sld [smem:$0x3FFE];
	[sflag:s23] =	ssyncadd.s32 $0xFFFFFFFF  }
0xa5: {  	s26 =	simm.s32 $execute0_lowered;
	[smem:$0x3FD2] =	sst s25  }
0xa6: {  	s5 =	sshll.u32 s26, $0x1;
	_ =	strace $0x80000049;
	[dreg:$0x1] =	wrdreg $0xFFFFFFFF  }
0xa7: {  	s28 =	simm.s32 $_size_execute0_lowered;
	s3 =	sadd.s32 s3, s5;
	[dreg:$0x0] =	wrdreg $0x0  }
0xa8: {  	s5 =	sshll.u32 s28, $0x1;
	[dreg:$0x2] =	wrdreg s3  }
0xa9: {  	[dreg:$0x3] =	wrdreg s5  }
0xaa: {  	[dreg:$0x4] =	wrdreg $0xC0  }
0xab: {  	_ =	task [dreg:s7], $0x5FFFF  }
0xac: {  	[dreg:$0x1] =	wrdreg $0xFFFFFFFF  }
0xad: {  	[dreg:$0x0] =	wrdreg $0x60  }
0xae: {  	[dreg:$0x2] =	wrdreg s2  }
0xaf: {  	[dreg:$0x3] =	wrdreg s24  }
0xb0: {  	[dreg:$0x4] =	wrdreg $0x130000  }
0xb1: {  	[dreg:$0x5] =	wrdreg $0x9  }
0xb2: {  	_ =	task.clear_ibuf [dreg:s7], $0x6FFFF;
	_ =	strace $0x90000049  }
0xb3: {  	s29 =	simm.s32 $0x9;
	_ =	strace $0x8000004B  }
0xb4: {  	_ =	swait.ge [sflag:s29], $0x1  }
0xb5: {  	[sflag:s29] =	ssyncadd.s32 $0xFFFFFFFF  }
0xb6: {  	_ =	strace $0x9000004B  }
0xb7: {  	_ =	sfence  }
0xb8: {  	s30 =	sld [smem:$0x0];
	_ =	sdelay $0x2  }
0xb9: {  	s31 =	sshll.u32 s1, $0xD;
	s1 =	sshrl.u32 s1, $0x2  }
0xba: {  	s3 =	sand.u32 $0x4000, s31;
	s1 =	sadd.s32 s1, s30  }
0xbb: {  	s0 =	sor.u32 s3, s0;
	s1 =	sshll.u32 s1, $0x11  }
0xbc: {  	s0 =	sor.u32 s1, s0  }
0xbd: {  	s0 =	sadd.s32 $0x8F2B, s0  }
0xbe: {  	[sflag:s0] =	ssyncadd.remote.s32 $0x1  }
0xbf: {  	_ =	sfence.sel $0xFFFF  }
0xc0: {  	[dreg:$0x0] =	wrdreg $0xFFFFFFFF;
	(pc) =	sbr.abs _section_cstart, $3  }
0xc1: {  	[dreg:$0x1] =	wrdreg $0xFFFFFFFF  }
0xc2: {  	_ =	task.clear_ibuf [dreg:s7], $0x2FFFF;
	_ =	strace $0x9FFFFFFF  }
0xc3: {  	(tm) =	ssettm $0x7FFFFFFF  }
tec
execute0_lowered:
.L_overlay_start_1:
0x0: {  	(tag) =	ssettag $0x1  }
0x1: {  	s1 =	rddreg [dreg:$0x0]  }
0x2: {  	s2 =	srdreg.scid;
	s5 =	rddreg [dreg:$0x1]  }
0x3: {  	s0 =	stileid.u32;
	s3 =	rddreg [dreg:$0x2];
	s4 =	simm.s32 $0x0  }
0x4: {  	s11 =	simm.s32 $0x3;
	s12 =	simm.s32 $0x2800;
	s13 =	simm.s32 $0x80  }
0x5: {  	s14 =	simm.s32 $0x5000;
	s15 =	simm.s32 $0x1;
	s16 =	simm.s32 $0x7000  }
0x6: {  	s17 =	simm.s32 $0x2;
	s18 =	simm.s32 $0x2780;
	s19 =	simm.s32 $0x4F00  }
0x7: {  	s20 =	simm.s32 $0x4F80;
	s6 =	sand.u32 $0x1, s2;
	s7 =	smul.u32 $0xA000, s0  }
0x8: {  	s2 =	rddreg [dreg:$0x3];
	s8 =	sshll.u32 s6, $0x4;
	s9 =	smul.u32 $0xA0000, s6  }
0x9: {  	s21 =	simm.s32 $0x0;
	[smem:$0x7FF] =	sst s4;
	s8 =	sor.u32 s0, s8  }
0xa: {  	s6 =	ssub.s32 $0x2, s6;
	s8 =	smul.u32 $0x500, s8;
	s9 =	sadd.s32 s7, s9  }
0xb: {  	_ =	strace $0x8000004A;
	s31 =	sshrl.u32 s6, $0x1;
	s9 =	sshrl.u32 s9, $0x3  }
0xc: {  	s10 =	ssub.s32 s6, s31;
	s8 =	sadd.s32 s8, s5;
	s9 =	sadd.s32 s9, s5  }
0xd: {  	s5 =	sadd.s32 s7, s3;
	s6 =	sadd.s32 $0xCC00, s8;
	s7 =	sadd.s32 $0x2C00, s8  }
0xe: {  	v0 =	vimm.f32 $0.0e+00;
	s8 =	sadd.s32 $0x8DE00, s9;
	s9 =	smax.u32 s10, $0x1;
	s10 =	simm.s32 $0x9000  }
.LBB2_1:
0xf: {  	s23 =	simm.s32 $0x100;
	s22 =	simm.s32 $0x0  }
.LBB2_2:
0x10: {  	p0 =	sne.s32 s23, $0x27F00;
	[tilespmem:s22+$0x9030] =	vst v0;
	s24 =	smov.u32 s23;
	s23 =	sadd.s32 $0x100, s23  }
.Ltmp0:
0x11: {  	[tilespmem:s22+$0x9020] =	vst v0;
	(pc) =	sbr.rel @p0 .LBB2_2-.Ltmp0, $3  }
0x12: {  	[tilespmem:s22+$0x9000] =	vst v0  }
0x13: {  	[tilespmem:s22+$0x9010] =	vst v0;
	_ =	sdelay $0x1  }
0x14: {  	s22 =	sshra.s32 s24, $0x2  }
0x15: {  	[tilespmem:s22+$0x9030] =	vst v0  }
0x16: {  	[tilespmem:s22+$0x9020] =	vst v0  }
0x17: {  	[tilespmem:s22+$0x9000] =	vst v0  }
0x18: {  	[tilespmem:s22+$0x9010] =	vst v0  }
0x19: {  	[spmem:s5] =	stream.linear.scatter [tilespmem:s10], [sflag:$0x3], $0xA000, $0x38;
	[tilespmem:$0x1D000] =	vst v63  }
0x1a: {  	_ =	swait.ge [sflag:s11], $0xA000  }
0x1b: {  	[sflag:s11] =	ssyncset.done $0x0  }
0x1c: {  	[sflag:s11] =	ssyncadd.s32 $0xFFFF6000  }
0x1d: {  	s26 =	simm.s32 $0x0;
	[bflag:$0x0] =	sbarrier.arrive $0xFFFF  }
0x1e: {  	[tilespmem:s26], [sflag:$0x3] =	stream.linear.gather [hbm4b:s6+s26], $0x2800, $0x38;
	[tilespmem:$0x1D000] =	vst v63  }
0x1f: {  	_ =	swait.ge [sflag:s11], $0x2800  }
0x20: {  	[sflag:s11] =	ssyncset.done $0x0  }
0x21: {  	[sflag:s11] =	ssyncadd.s32 $0xFFFFD800  }
0x22: {  	[tilespmem:s12], [sflag:$0x3] =	stream.linear.gather [hbm4b:s7+s26], $0x2800, $0x38;
	[tilespmem:$0x1D000] =	vst v63  }
0x23: {  	_ =	swait.ge [sflag:s11], $0x2800  }
0x24: {  	[sflag:s11] =	ssyncset.done $0x0  }
0x25: {  	[sflag:s11] =	ssyncadd.s32 $0xFFFFD800  }
0x26: {  	[tilespmem:s14], [sflag:$0x1] =	stream.indirect.gather [hbm4b:s1+s13], $0x40, s26, s13, $0xb8;
	[tilespmem:$0x1D000] =	vst v63  }
0x27: {  	_ =	swait.ge [sflag:s15], $0x2000  }
0x28: {  	[sflag:s15] =	ssyncset.done $0x0  }
0x29: {  	s28 =	simm.s32 $0x80;
	[sflag:s15] =	ssyncadd.s32 $0xFFFFE000  }
0x2a: {  	[tilespmem:s16], [sflag:$0x2] =	stream.indirect.gather [hbm4b:s1+s13], $0x40, s28, s13, $0xb8;
	[tilespmem:$0x1D000] =	vst v63  }
0x2b: {  	s29 =	simm.s32 $0x2800  }
0x2c: {  	[spmem:s3] =	stream.indirect.scatter.add.f32 [tilespmem:s14], [sflag:$0x3], $0x40, s29, s13, $0xb8;
	[tilespmem:$0x1D000] =	vst v63  }
0x2d: {  	_ =	swait.ge [sflag:s11], $0x2000  }
0x2e: {  	[sflag:s11] =	ssyncset.done $0x0  }
0x2f: {  	[sflag:s11] =	ssyncadd.s32 $0xFFFFE000  }
0x30: {  	_ =	swait.ge [sflag:s17], $0x2000  }
0x31: {  	[sflag:s17] =	ssyncset.done $0x0  }
0x32: {  	s30 =	simm.s32 $0x100;
	[sflag:s17] =	ssyncadd.s32 $0xFFFFE000  }
0x33: {  	[tilespmem:s14], [sflag:$0x1] =	stream.indirect.gather [hbm4b:s1+s13], $0x40, s30, s13, $0xb8;
	[tilespmem:$0x1D000] =	vst v63  }
0x34: {  	s31 =	simm.s32 $0x2880  }
0x35: {  	[spmem:s3] =	stream.indirect.scatter.add.f32 [tilespmem:s16], [sflag:$0x3], $0x40, s31, s13, $0xb8;
	[tilespmem:$0x1D000] =	vst v63  }
0x36: {  	_ =	swait.ge [sflag:s11], $0x2000  }
0x37: {  	s22 =	simm.s32 $0x400;
	[sflag:s11] =	ssyncset.done $0x0  }
.LBB2_4:
0x38: {  	p0 =	sne.s32 s22, $0x9800  }
0x39: {  	[sflag:s11] =	ssyncadd.s32 $0xFFFFE000;
	s23 =	smov.u32 s22;
	s22 =	sadd.s32 $0x400, s22  }
0x3a: {  	_ = 	snop  }
0x3b: {  	_ =	swait.ge [sflag:s15], $0x2000  }
0x3c: {  	s23 =	sshra.s32 s23, $0x2;
	[sflag:s15] =	ssyncset.done $0x0  }
0x3d: {  	s24 =	sadd.s32 $0x80, s23;
	[sflag:s15] =	ssyncadd.s32 $0xFFFFE000  }
0x3e: {  	[tilespmem:s16], [sflag:$0x2] =	stream.indirect.gather [hbm4b:s1+s13], $0x40, s24, s13, $0xb8;
	[tilespmem:$0x1D000] =	vst v63  }
0x3f: {  	s24 =	sadd.s32 $0x2800, s23  }
0x40: {  	[spmem:s3] =	stream.indirect.scatter.add.f32 [tilespmem:s14], [sflag:$0x3], $0x40, s24, s13, $0xb8;
	[tilespmem:$0x1D000] =	vst v63  }
0x41: {  	_ =	swait.ge [sflag:s11], $0x2000  }
0x42: {  	[sflag:s11] =	ssyncset.done $0x0  }
0x43: {  	[sflag:s11] =	ssyncadd.s32 $0xFFFFE000  }
0x44: {  	_ =	swait.ge [sflag:s17], $0x2000  }
0x45: {  	[sflag:s17] =	ssyncset.done $0x0  }
0x46: {  	s24 =	sadd.s32 $0x100, s23;
	[sflag:s17] =	ssyncadd.s32 $0xFFFFE000  }
0x47: {  	[tilespmem:s14], [sflag:$0x1] =	stream.indirect.gather [hbm4b:s1+s13], $0x40, s24, s13, $0xb8;
	[tilespmem:$0x1D000] =	vst v63  }
.Ltmp1:
0x48: {  	_ = 	snop;
	(pc) =	sbr.rel @p0 .LBB2_4-.Ltmp1, $4  }
0x49: {  	s23 =	sadd.s32 $0x2880, s23  }
0x4a: {  	[spmem:s3] =	stream.indirect.scatter.add.f32 [tilespmem:s16], [sflag:$0x3], $0x40, s23, s13, $0xb8;
	[tilespmem:$0x1D000] =	vst v63  }
0x4b: {  	_ =	swait.ge [sflag:s11], $0x2000  }
0x4c: {  	[sflag:s11] =	ssyncset.done $0x0  }
0x4d: {  	[sflag:s11] =	ssyncadd.s32 $0xFFFFE000  }
0x4e: {  	_ =	swait.ge [sflag:s15], $0x2000  }
0x4f: {  	[sflag:s15] =	ssyncset.done $0x0  }
0x50: {  	[sflag:s15] =	ssyncadd.s32 $0xFFFFE000  }
0x51: {  	[tilespmem:s16], [sflag:$0x2] =	stream.indirect.gather [hbm4b:s1+s13], $0x40, s18, s13, $0xb8;
	[tilespmem:$0x1D000] =	vst v63  }
0x52: {  	_ = 	snop  }
0x53: {  	[spmem:s3] =	stream.indirect.scatter.add.f32 [tilespmem:s14], [sflag:$0x3], $0x40, s19, s13, $0xb8;
	[tilespmem:$0x1D000] =	vst v63  }
0x54: {  	_ =	swait.ge [sflag:s11], $0x2000  }
0x55: {  	[sflag:s11] =	ssyncset.done $0x0  }
0x56: {  	[sflag:s11] =	ssyncadd.s32 $0xFFFFE000  }
0x57: {  	_ =	swait.ge [sflag:s17], $0x2000  }
0x58: {  	[sflag:s17] =	ssyncset.done $0x0  }
0x59: {  	[sflag:s17] =	ssyncadd.s32 $0xFFFFE000  }
0x5a: {  	[spmem:s3] =	stream.indirect.scatter.add.f32 [tilespmem:s16], [sflag:$0x3], $0x40, s20, s13, $0xb8;
	[tilespmem:$0x1D000] =	vst v63  }
0x5b: {  	_ =	swait.ge [sflag:s11], $0x2000  }
0x5c: {  	[sflag:s11] =	ssyncset.done $0x0  }
0x5d: {  	[sflag:s11] =	ssyncadd.s32 $0xFFFFE000  }
0x5e: {  	[bflag:$0x0] =	sbarrier.arrive $0xFFFF  }
0x5f: {  	[tilespmem:s10], [sflag:$0x3] =	stream.linear.gather [spmem:s5], $0xA000, $0x38;
	[tilespmem:$0x1D000] =	vst v63  }
0x60: {  	s21 =	sadd.s32 $0x1, s21;
	_ =	swait.ge [sflag:s11], $0xA000  }
0x61: {  	p0 =	sne.s32 s21, s9;
	[sflag:s11] =	ssyncset.done $0x0  }
.Ltmp2:
0x62: {  	[sflag:s11] =	ssyncadd.s32 $0xFFFF6000;
	(pc) =	sbr.rel @p0 .LBB2_1-.Ltmp2, $4  }
0x63: {  	[hbm4b:s8+s4] =	stream.linear.scatter [tilespmem:s10], [sflag:$0x3], $0xA000, $0x38;
	[tilespmem:$0x1D000] =	vst v63  }
0x64: {  	_ =	swait.ge [sflag:s11], $0xA000  }
0x65: {  	[sflag:s11] =	ssyncset.done $0x0  }
0x66: {  	[sflag:s11] =	ssyncadd.s32 $0xFFFF6000  }
0x67: {  	_ =	sfence.sel $0x180000  }
0x68: {  	[bflag:$0x0] =	sbarrier.arrive $0xFFFF  }
0x69: {  	p0 =	sne.s32 s0, $0x0;
	_ =	strace $0x9000004A  }
0x6a: {  	s0 =	sadd.s32 @!p0 $0x100000, s2;
	[bflag:$0x2] =	sbarrier.arrive $0xFFFF  }
0x6b: {  	[sflag:s0] =	ssyncadd.tile.s32 @!p0 $0x1;
	_ =	shalt  }
.Lfunc_end2:
_tile_overlayer_lowered:
.L_overlay_start_2:
0x6c: {  	(tag) =	ssettag $0x2  }
0x6d: {  	s0 =	rddreg [dreg:$0x0];
	s2 =	stileid.u32  }
0x6e: {  	s1 =	rddreg [dreg:$0x1];
	p0 =	sne.s32 s2, $0x0  }
0x6f: {  	s3 =	rddreg [dreg:$0x2];
	[bflag:$0x3] =	sbarrier.arrive $0xFFFF;
	s2 =	simm.s32 @!p0 $0x1C03  }
0x70: {  	[timem:s3], [sflag:s2] =	dma.local @!p0 [hbm:s0], s1  }
0x71: {  	s0 =	simm.s32 @!p0 $0x3  }
0x72: {  	_ =	swait.ge @!p0 [sflag:s0], s1  }
0x73: {  	s1 =	ssub.s32 @!p0 $0x0, s1;
	[sflag:s0] =	ssyncset.done @!p0 $0x0  }
0x74: {  	[sflag:s0] =	ssyncadd.s32 @!p0 s1  }
0x75: {  	[bflag:$0x3] =	sbarrier.arrive $0xFFFF  }
0x76: {  	_ =	shalt  }

// kernel: kernel.15.cloned.1.call-start
scs
__scs_entry_jumppad:
0x0: {  	(pc) =	sbr.rel $0x88, $3  }
0x1: {  	(tag) =	ssettag $0x0;
	lr =	simm.s32 $0x1  }
0x2: {  	[smem:$0x3F93] =	sst lr;
	_ =	strace $0xD0000000  }
0x3: {  	_ = 	snop  }
0x4: {  	_ = 	snop  }
0x5: {  	_ = 	snop  }
0x6: {  	_ = 	snop  }
0x7: {  	_ = 	snop  }
__scs_overlays_trampoline_lowered:
0x8: {  	[smem:$0x3FA2] =	sst s0  }
0x9: {  	[smem:$0x3FA3] =	sst s1  }
0xa: {  	[smem:$0x3FA4] =	sst s2  }
0xb: {  	[smem:$0x3FA5] =	sst s3  }
0xc: {  	[smem:$0x3FA6] =	sst s4  }
0xd: {  	[smem:$0x3FA7] =	sst s5  }
0xe: {  	[smem:$0x3FA8] =	sst s6  }
0xf: {  	[smem:$0x3FA9] =	sst s7  }
0x10: {  	[smem:$0x3FAA] =	sst s8  }
0x11: {  	[smem:$0x3FAB] =	sst s9;
	s0 =	simm.s32 @!p0 $0x0  }
0x12: {  	s1 =	sld [smem:$0x3F91];
	s0 =	simm.s32 @p0 $0x1  }
0x13: {  	[smem:$0x3FAC] =	sst s0;
	s0 =	simm.s32 @!p1 $0x0  }
0x14: {  	s2 =	sld [smem:$0x3F90];
	s0 =	simm.s32 @p1 $0x1  }
0x15: {  	[smem:$0x3FAD] =	sst s0;
	s0 =	simm.s32 @!p2 $0x0  }
0x16: {  	s3 =	sld [smem:$0x3FDB];
	s0 =	simm.s32 @p2 $0x1  }
0x17: {  	s4 =	simm.s32 $0x1BF5;
	[smem:$0x3FAF] =	sst s0  }
0x18: {  	s0 =	sld [smem:$0x3F92];
	_ =	swait.ge [sflag:s4], $0x0  }
0x19: {  	s7 =	sld [smem:$0x3F93]  }
0x1a: {  	s8 =	sadd.s32 $0xFFFFE003, lr  }
0x1b: {  	s9 =	sadd.s32 $0xFFFFFEF7, lr;
	s5 =	simm.s32 $0xFFFFFFFF;
	p2 =	slt.u32 s8, $0xFFFFF086  }
0x1c: {  	p1 =	slt.u32 s9, $0xF7A;
	s5 =	simm.s32 @!p2 $0x0  }
0x1d: {  	s5 =	simm.s32 @p1 $0x1;
	p0 =	seq.s32 s7, s2  }
0x1e: {  	s7 =	smul.u32 @!p0 $0xF7A, s2;
	p2 =	seq.s32 @!p0 s5, $0x0  }
0x1f: {  	s9 =	smul.u32 $0xF7A, s1;
	s8 =	simm.s32 @!p0 $0x1BF5;
	p2 =	por !p2, p0  }
0x20: {  	[sflag:s8] =	ssyncset.s32 @!p0 $0xFFFFF086;
	s6 =	sadd.s32 @!p0 s3, s7;
	s7 =	simm.s32 @!p0 $0x108  }
0x21: {  	s3 =	sadd.s32 s3, s9;
	s6 =	sadd.s32 @!p0 $0x88, s6;
	s7 =	simm.s32 @p2 $0x1082  }
0x22: {  	[simem:s7], [sflag:s8] =	dma.local @!p0 [hbm:s6], $0xF7A  }
0x23: {  	s9 =	sor.u32 $0xD0000000, s2;
	s6 =	simm.s32 $0x108;
	_ =	swait.ge @!p0 [sflag:s8], $0x0  }
0x24: {  	s3 =	sadd.s32 $0x88, s3;
	s6 =	simm.s32 @!p1 $0x1082;
	[sflag:s4] =	ssyncset.s32 $0xFFFFF086  }
0x25: {  	[simem:s6], [sflag:s4] =	dma.local [hbm:s3], $0xF7A  }
0x26: {  	[smem:$0x3F93] =	sst s1;
	(tag) =	ssettag s2;
	_ =	strace s9  }
0x27: {  	s1 =	sld [smem:$0x3FA3]  }
0x28: {  	s2 =	sld [smem:$0x3FA4]  }
0x29: {  	s4 =	sld [smem:$0x3FA6]  }
0x2a: {  	p0 =	seq.s32 s5, $0x0;
	s5 =	sld [smem:$0x3FA7]  }
0x2b: {  	s6 =	sld [smem:$0x3FA8]  }
0x2c: {  	s7 =	sld [smem:$0x3FA9]  }
0x2d: {  	s3 =	simm.s32 $0x108;
	s8 =	sld [smem:$0x3FAA]  }
0x2e: {  	s3 =	simm.s32 @!p0 $0x1082;
	s9 =	sld [smem:$0x3FAB]  }
0x2f: {  	lr =	sadd.s32 s0, s3;
	s0 =	sld [smem:$0x3FA2]  }
0x30: {  	s3 =	sld [smem:$0x3FA5]  }
0x31: {  	[smem:$0x3FAE] =	sst s10  }
0x32: {  	s10 =	sld [smem:$0x3FAC];
	_ =	sdelay $0x3  }
0x33: {  	p0 =	seq.s32 s10, $0x1;
	s10 =	sld [smem:$0x3FAE];
	_ =	sdelay $0x3  }
0x34: {  	[smem:$0x3FAE] =	sst s10  }
0x35: {  	s10 =	sld [smem:$0x3FAD];
	_ =	sdelay $0x3  }
0x36: {  	p1 =	seq.s32 s10, $0x1;
	s10 =	sld [smem:$0x3FAE];
	_ =	sdelay $0x3  }
0x37: {  	[smem:$0x3FAE] =	sst s10  }
0x38: {  	s10 =	sld [smem:$0x3FAF]  }
0x39: {  	_ = 	snop;
	(pc) =	sbr.ind lr, $3  }
0x3a: {  	_ = 	snop  }
0x3b: {  	_ = 	snop  }
0x3c: {  	p2 =	seq.s32 s10, $0x1;
	s10 =	sld [smem:$0x3FAE]  }
0x3d: {  	_ =	shalt  }
0x3e: {  	_ =	shalt  }
0x3f: {  	_ =	shalt  }
0x40: {  	_ =	shalt  }
0x41: {  	_ =	shalt  }
0x42: {  	_ =	shalt  }
0x43: {  	_ =	shalt  }
0x44: {  	_ =	shalt  }
0x45: {  	_ =	shalt  }
0x46: {  	_ =	shalt  }
0x47: {  	_ =	shalt  }
0x48: {  	_ =	shalt  }
0x49: {  	_ =	shalt  }
0x4a: {  	_ =	shalt  }
0x4b: {  	_ =	shalt  }
0x4c: {  	_ =	shalt  }
0x4d: {  	_ =	shalt  }
0x4e: {  	_ =	shalt  }
0x4f: {  	_ =	shalt  }
0x50: {  	_ =	shalt  }
0x51: {  	_ =	shalt  }
0x52: {  	_ =	shalt  }
0x53: {  	_ =	shalt  }
0x54: {  	_ =	shalt  }
0x55: {  	_ =	shalt  }
0x56: {  	_ =	shalt  }
0x57: {  	_ =	shalt  }
0x58: {  	_ =	shalt  }
0x59: {  	_ =	shalt  }
0x5a: {  	_ =	shalt  }
0x5b: {  	_ =	shalt  }
0x5c: {  	_ =	shalt  }
0x5d: {  	_ =	shalt  }
0x5e: {  	_ =	shalt  }
0x5f: {  	_ =	shalt  }
0x60: {  	_ =	shalt  }
0x61: {  	_ =	shalt  }
0x62: {  	_ =	shalt  }
0x63: {  	_ =	shalt  }
0x64: {  	_ =	shalt  }
0x65: {  	_ =	shalt  }
0x66: {  	_ =	shalt  }
0x67: {  	_ =	shalt  }
0x68: {  	_ =	shalt  }
0x69: {  	_ =	shalt  }
0x6a: {  	_ =	shalt  }
0x6b: {  	_ =	shalt  }
0x6c: {  	_ =	shalt  }
0x6d: {  	_ =	shalt  }
0x6e: {  	_ =	shalt  }
0x6f: {  	_ =	shalt  }
0x70: {  	_ =	shalt  }
0x71: {  	_ =	shalt  }
0x72: {  	_ =	shalt  }
0x73: {  	_ =	shalt  }
0x74: {  	_ =	shalt  }
0x75: {  	_ =	shalt  }
0x76: {  	_ =	shalt  }
0x77: {  	_ =	shalt  }
0x78: {  	_ =	shalt  }
0x79: {  	_ =	shalt  }
0x7a: {  	_ =	shalt  }
0x7b: {  	_ =	shalt  }
0x7c: {  	_ =	shalt  }
0x7d: {  	_ =	shalt  }
0x7e: {  	_ =	shalt  }
0x7f: {  	_ =	shalt  }
0x80: {  	_ =	shalt  }
0x81: {  	_ =	shalt  }
0x82: {  	_ =	shalt  }
0x83: {  	_ =	shalt  }
0x84: {  	_ =	shalt  }
0x85: {  	_ =	shalt  }
0x86: {  	_ =	shalt  }
0x87: {  	_ =	shalt  }
.Lfunc_end0:
.L_simem_size_0:
called_computation.2_lowered:
.L_overlay_start_0:
0x88: {  	s2 =	sld [smem:$0x3FD9]  }
0x89: {  	s3 =	sld [smem:$0x3FFE];
	_ =	sdelay $0x1  }
0x8a: {  	s1 =	srdreg.scid  }
0x8b: {  	s0 =	sand.u32 $0x1, s1  }
0x8c: {  	s17 =	sshll.u32 s0, $0xA;
	s2 =	sadd.s32 s3, s2  }
0x8d: {  	s2 =	sadd.s32 s2, s17  }
0x8e: {  	[smem:$0x3FBA] =	sst s2  }
0x8f: {  	_ = 	snop  }
0x90: {  	s2 =	sld [smem:$0x3FD0];
	(tm) =	ssettm $0x1  }
0x91: {  	s18 =	sld [smem:$0x3FFB];
	_ =	sdelay $0x3  }
0x92: {  	_ =	strace s18  }
0x93: {  	s3 =	sld [smem:$0x3FFC];
	_ =	sdelay $0x3  }
0x94: {  	_ =	strace s3  }
0x95: {  	s3 =	sld [smem:$0x3FFD];
	_ =	sdelay $0x3  }
0x96: {  	_ =	strace s3  }
0x97: {  	_ =	strace $0x8FFFFFFF  }
0x98: {  	s19 =	sld [smem:$0x3FDB];
	_ =	sdelay $0x1  }
0x99: {  	s4 =	simm.s32 $_scs_section_size  }
0x9a: {  	s5 =	simm.s32 $_size__tile_overlayer_lowered;
	s6 =	simm.s32 $_tile_overlayer_lowered  }
0x9b: {  	s22 =	simm.s32 $0x1BFF;
	s21 =	sshll.u32 s6, $0x1;
	s3 =	sadd.s32 s4, s19  }
0x9c: {  	s7 =	simm.s32 $0x0;
	s20 =	sshll.u32 s5, $0x1;
	s5 =	sadd.s32 s21, s3  }
0x9d: {  	[timem:s7], [sflag:s22] =	dma.local [hbm:s5], s20  }
0x9e: {  	_ =	swait.ge [sflag:s22], s20  }
0x9f: {  	s4 =	ssub.s32 $0x0, s20;
	[sflag:s22] =	ssyncset.done $0x0  }
0xa0: {  	[sflag:s22] =	ssyncadd.s32 s4;
	_ =	sdelay $0x1  }
0xa1: {  	s23 =	simm.s32 $0x1B8B  }
0xa2: {  	_ =	swait.ge [sflag:s23], $0x1  }
0xa3: {  	[sflag:s23] =	ssyncset.done $0x0  }
0xa4: {  	s25 =	simm.s32 $0x1B8E;
	s24 =	sld [smem:$0x3FFE];
	[sflag:s23] =	ssyncadd.s32 $0xFFFFFFFF  }
0xa5: {  	s26 =	simm.s32 $execute0_lowered;
	[smem:$0x3FD2] =	sst s25  }
0xa6: {  	s5 =	sshll.u32 s26, $0x1;
	_ =	strace $0x8000004C;
	[dreg:$0x1] =	wrdreg $0xFFFFFFFF  }
0xa7: {  	s28 =	simm.s32 $_size_execute0_lowered;
	s3 =	sadd.s32 s3, s5;
	[dreg:$0x0] =	wrdreg $0x0  }
0xa8: {  	s5 =	sshll.u32 s28, $0x1;
	[dreg:$0x2] =	wrdreg s3  }
0xa9: {  	[dreg:$0x3] =	wrdreg s5  }
0xaa: {  	[dreg:$0x4] =	wrdreg $0xC0  }
0xab: {  	_ =	task [dreg:s7], $0x5FFFF  }
0xac: {  	[dreg:$0x1] =	wrdreg $0xFFFFFFFF  }
0xad: {  	[dreg:$0x0] =	wrdreg $0x60  }
0xae: {  	[dreg:$0x2] =	wrdreg s2  }
0xaf: {  	[dreg:$0x3] =	wrdreg s24  }
0xb0: {  	[dreg:$0x4] =	wrdreg $0x130000  }
0xb1: {  	[dreg:$0x5] =	wrdreg $0x9  }
0xb2: {  	_ =	task.clear_ibuf [dreg:s7], $0x6FFFF;
	_ =	strace $0x9000004C  }
0xb3: {  	s29 =	simm.s32 $0x9;
	_ =	strace $0x8000004E  }
0xb4: {  	_ =	swait.ge [sflag:s29], $0x1  }
0xb5: {  	[sflag:s29] =	ssyncadd.s32 $0xFFFFFFFF  }
0xb6: {  	_ =	strace $0x9000004E  }
0xb7: {  	_ =	sfence  }
0xb8: {  	s30 =	sld [smem:$0x0];
	_ =	sdelay $0x2  }
0xb9: {  	s31 =	sshll.u32 s1, $0xD;
	s1 =	sshrl.u32 s1, $0x2  }
0xba: {  	s3 =	sand.u32 $0x4000, s31;
	s1 =	sadd.s32 s1, s30  }
0xbb: {  	s0 =	sor.u32 s3, s0;
	s1 =	sshll.u32 s1, $0x11  }
0xbc: {  	s0 =	sor.u32 s1, s0  }
0xbd: {  	s0 =	sadd.s32 $0x8F2B, s0  }
0xbe: {  	[sflag:s0] =	ssyncadd.remote.s32 $0x1  }
0xbf: {  	_ =	sfence.sel $0xFFFF  }
0xc0: {  	[dreg:$0x0] =	wrdreg $0xFFFFFFFF;
	(pc) =	sbr.abs _section_cstart, $3  }
0xc1: {  	[dreg:$0x1] =	wrdreg $0xFFFFFFFF  }
0xc2: {  	_ =	task.clear_ibuf [dreg:s7], $0x2FFFF;
	_ =	strace $0x9FFFFFFF  }
0xc3: {  	(tm) =	ssettm $0x7FFFFFFF  }
tec
execute0_lowered:
.L_overlay_start_1:
0x0: {  	(tag) =	ssettag $0x1  }
0x1: {  	s1 =	rddreg [dreg:$0x0]  }
0x2: {  	s2 =	srdreg.scid;
	s5 =	rddreg [dreg:$0x1]  }
0x3: {  	s0 =	stileid.u32;
	s3 =	rddreg [dreg:$0x2];
	s4 =	simm.s32 $0x0  }
0x4: {  	s11 =	simm.s32 $0x3;
	s12 =	simm.s32 $0x2800;
	s13 =	simm.s32 $0x80  }
0x5: {  	s14 =	simm.s32 $0x5000;
	s15 =	simm.s32 $0x1;
	s16 =	simm.s32 $0x7000  }
0x6: {  	s17 =	simm.s32 $0x2;
	s18 =	simm.s32 $0x2780;
	s19 =	simm.s32 $0x4F00  }
0x7: {  	s20 =	simm.s32 $0x4F80;
	s6 =	sand.u32 $0x1, s2;
	s7 =	smul.u32 $0xA000, s0  }
0x8: {  	s2 =	rddreg [dreg:$0x3];
	s8 =	sshll.u32 s6, $0x4;
	s9 =	smul.u32 $0xA0000, s6  }
0x9: {  	s21 =	simm.s32 $0x0;
	[smem:$0x7FF] =	sst s4;
	s8 =	sor.u32 s0, s8  }
0xa: {  	s6 =	ssub.s32 $0x2, s6;
	s8 =	smul.u32 $0x500, s8;
	s9 =	sadd.s32 s7, s9  }
0xb: {  	_ =	strace $0x8000004D;
	s31 =	sshrl.u32 s6, $0x1;
	s9 =	sshrl.u32 s9, $0x3  }
0xc: {  	s10 =	ssub.s32 s6, s31;
	s8 =	sadd.s32 s8, s5;
	s9 =	sadd.s32 s9, s5  }
0xd: {  	s5 =	sadd.s32 s7, s3;
	s6 =	sadd.s32 $0xCC00, s8;
	s7 =	sadd.s32 $0x2C00, s8  }
0xe: {  	v0 =	vimm.f32 $0.0e+00;
	s8 =	sadd.s32 $0x66C00, s9;
	s9 =	smax.u32 s10, $0x1;
	s10 =	simm.s32 $0x9000  }
.LBB2_1:
0xf: {  	s23 =	simm.s32 $0x100;
	s22 =	simm.s32 $0x0  }
.LBB2_2:
0x10: {  	p0 =	sne.s32 s23, $0x27F00;
	[tilespmem:s22+$0x9030] =	vst v0;
	s24 =	smov.u32 s23;
	s23 =	sadd.s32 $0x100, s23  }
.Ltmp0:
0x11: {  	[tilespmem:s22+$0x9020] =	vst v0;
	(pc) =	sbr.rel @p0 .LBB2_2-.Ltmp0, $3  }
0x12: {  	[tilespmem:s22+$0x9000] =	vst v0  }
0x13: {  	[tilespmem:s22+$0x9010] =	vst v0;
	_ =	sdelay $0x1  }
0x14: {  	s22 =	sshra.s32 s24, $0x2  }
0x15: {  	[tilespmem:s22+$0x9030] =	vst v0  }
0x16: {  	[tilespmem:s22+$0x9020] =	vst v0  }
0x17: {  	[tilespmem:s22+$0x9000] =	vst v0  }
0x18: {  	[tilespmem:s22+$0x9010] =	vst v0  }
0x19: {  	[spmem:s5] =	stream.linear.scatter [tilespmem:s10], [sflag:$0x3], $0xA000, $0x38;
	[tilespmem:$0x1D000] =	vst v63  }
0x1a: {  	_ =	swait.ge [sflag:s11], $0xA000  }
0x1b: {  	[sflag:s11] =	ssyncset.done $0x0  }
0x1c: {  	[sflag:s11] =	ssyncadd.s32 $0xFFFF6000  }
0x1d: {  	s26 =	simm.s32 $0x0;
	[bflag:$0x0] =	sbarrier.arrive $0xFFFF  }
0x1e: {  	[tilespmem:s26], [sflag:$0x3] =	stream.linear.gather [hbm4b:s6+s26], $0x2800, $0x38;
	[tilespmem:$0x1D000] =	vst v63  }
0x1f: {  	_ =	swait.ge [sflag:s11], $0x2800  }
0x20: {  	[sflag:s11] =	ssyncset.done $0x0  }
0x21: {  	[sflag:s11] =	ssyncadd.s32 $0xFFFFD800  }
0x22: {  	[tilespmem:s12], [sflag:$0x3] =	stream.linear.gather [hbm4b:s7+s26], $0x2800, $0x38;
	[tilespmem:$0x1D000] =	vst v63  }
0x23: {  	_ =	swait.ge [sflag:s11], $0x2800  }
0x24: {  	[sflag:s11] =	ssyncset.done $0x0  }
0x25: {  	[sflag:s11] =	ssyncadd.s32 $0xFFFFD800  }
0x26: {  	[tilespmem:s14], [sflag:$0x1] =	stream.indirect.gather [hbm4b:s1+s13], $0x40, s26, s13, $0xb8;
	[tilespmem:$0x1D000] =	vst v63  }
0x27: {  	_ =	swait.ge [sflag:s15], $0x2000  }
0x28: {  	[sflag:s15] =	ssyncset.done $0x0  }
0x29: {  	s28 =	simm.s32 $0x80;
	[sflag:s15] =	ssyncadd.s32 $0xFFFFE000  }
0x2a: {  	[tilespmem:s16], [sflag:$0x2] =	stream.indirect.gather [hbm4b:s1+s13], $0x40, s28, s13, $0xb8;
	[tilespmem:$0x1D000] =	vst v63  }
0x2b: {  	s29 =	simm.s32 $0x2800  }
0x2c: {  	[spmem:s3] =	stream.indirect.scatter.add.f32 [tilespmem:s14], [sflag:$0x3], $0x40, s29, s13, $0xb8;
	[tilespmem:$0x1D000] =	vst v63  }
0x2d: {  	_ =	swait.ge [sflag:s11], $0x2000  }
0x2e: {  	[sflag:s11] =	ssyncset.done $0x0  }
0x2f: {  	[sflag:s11] =	ssyncadd.s32 $0xFFFFE000  }
0x30: {  	_ =	swait.ge [sflag:s17], $0x2000  }
0x31: {  	[sflag:s17] =	ssyncset.done $0x0  }
0x32: {  	s30 =	simm.s32 $0x100;
	[sflag:s17] =	ssyncadd.s32 $0xFFFFE000  }
0x33: {  	[tilespmem:s14], [sflag:$0x1] =	stream.indirect.gather [hbm4b:s1+s13], $0x40, s30, s13, $0xb8;
	[tilespmem:$0x1D000] =	vst v63  }
0x34: {  	s31 =	simm.s32 $0x2880  }
0x35: {  	[spmem:s3] =	stream.indirect.scatter.add.f32 [tilespmem:s16], [sflag:$0x3], $0x40, s31, s13, $0xb8;
	[tilespmem:$0x1D000] =	vst v63  }
0x36: {  	_ =	swait.ge [sflag:s11], $0x2000  }
0x37: {  	s22 =	simm.s32 $0x400;
	[sflag:s11] =	ssyncset.done $0x0  }
.LBB2_4:
0x38: {  	p0 =	sne.s32 s22, $0x9800  }
0x39: {  	[sflag:s11] =	ssyncadd.s32 $0xFFFFE000;
	s23 =	smov.u32 s22;
	s22 =	sadd.s32 $0x400, s22  }
0x3a: {  	_ = 	snop  }
0x3b: {  	_ =	swait.ge [sflag:s15], $0x2000  }
0x3c: {  	s23 =	sshra.s32 s23, $0x2;
	[sflag:s15] =	ssyncset.done $0x0  }
0x3d: {  	s24 =	sadd.s32 $0x80, s23;
	[sflag:s15] =	ssyncadd.s32 $0xFFFFE000  }
0x3e: {  	[tilespmem:s16], [sflag:$0x2] =	stream.indirect.gather [hbm4b:s1+s13], $0x40, s24, s13, $0xb8;
	[tilespmem:$0x1D000] =	vst v63  }
0x3f: {  	s24 =	sadd.s32 $0x2800, s23  }
0x40: {  	[spmem:s3] =	stream.indirect.scatter.add.f32 [tilespmem:s14], [sflag:$0x3], $0x40, s24, s13, $0xb8;
	[tilespmem:$0x1D000] =	vst v63  }
0x41: {  	_ =	swait.ge [sflag:s11], $0x2000  }
0x42: {  	[sflag:s11] =	ssyncset.done $0x0  }
0x43: {  	[sflag:s11] =	ssyncadd.s32 $0xFFFFE000  }
0x44: {  	_ =	swait.ge [sflag:s17], $0x2000  }
0x45: {  	[sflag:s17] =	ssyncset.done $0x0  }
0x46: {  	s24 =	sadd.s32 $0x100, s23;
	[sflag:s17] =	ssyncadd.s32 $0xFFFFE000  }
0x47: {  	[tilespmem:s14], [sflag:$0x1] =	stream.indirect.gather [hbm4b:s1+s13], $0x40, s24, s13, $0xb8;
	[tilespmem:$0x1D000] =	vst v63  }
.Ltmp1:
0x48: {  	_ = 	snop;
	(pc) =	sbr.rel @p0 .LBB2_4-.Ltmp1, $4  }
0x49: {  	s23 =	sadd.s32 $0x2880, s23  }
0x4a: {  	[spmem:s3] =	stream.indirect.scatter.add.f32 [tilespmem:s16], [sflag:$0x3], $0x40, s23, s13, $0xb8;
	[tilespmem:$0x1D000] =	vst v63  }
0x4b: {  	_ =	swait.ge [sflag:s11], $0x2000  }
0x4c: {  	[sflag:s11] =	ssyncset.done $0x0  }
0x4d: {  	[sflag:s11] =	ssyncadd.s32 $0xFFFFE000  }
0x4e: {  	_ =	swait.ge [sflag:s15], $0x2000  }
0x4f: {  	[sflag:s15] =	ssyncset.done $0x0  }
0x50: {  	[sflag:s15] =	ssyncadd.s32 $0xFFFFE000  }
0x51: {  	[tilespmem:s16], [sflag:$0x2] =	stream.indirect.gather [hbm4b:s1+s13], $0x40, s18, s13, $0xb8;
	[tilespmem:$0x1D000] =	vst v63  }
0x52: {  	_ = 	snop  }
0x53: {  	[spmem:s3] =	stream.indirect.scatter.add.f32 [tilespmem:s14], [sflag:$0x3], $0x40, s19, s13, $0xb8;
	[tilespmem:$0x1D000] =	vst v63  }
0x54: {  	_ =	swait.ge [sflag:s11], $0x2000  }
0x55: {  	[sflag:s11] =	ssyncset.done $0x0  }
0x56: {  	[sflag:s11] =	ssyncadd.s32 $0xFFFFE000  }
0x57: {  	_ =	swait.ge [sflag:s17], $0x2000  }
0x58: {  	[sflag:s17] =	ssyncset.done $0x0  }
0x59: {  	[sflag:s17] =	ssyncadd.s32 $0xFFFFE000  }
0x5a: {  	[spmem:s3] =	stream.indirect.scatter.add.f32 [tilespmem:s16], [sflag:$0x3], $0x40, s20, s13, $0xb8;
	[tilespmem:$0x1D000] =	vst v63  }
0x5b: {  	_ =	swait.ge [sflag:s11], $0x2000  }
0x5c: {  	[sflag:s11] =	ssyncset.done $0x0  }
0x5d: {  	[sflag:s11] =	ssyncadd.s32 $0xFFFFE000  }
0x5e: {  	[bflag:$0x0] =	sbarrier.arrive $0xFFFF  }
0x5f: {  	[tilespmem:s10], [sflag:$0x3] =	stream.linear.gather [spmem:s5], $0xA000, $0x38;
	[tilespmem:$0x1D000] =	vst v63  }
0x60: {  	s21 =	sadd.s32 $0x1, s21;
	_ =	swait.ge [sflag:s11], $0xA000  }
0x61: {  	p0 =	sne.s32 s21, s9;
	[sflag:s11] =	ssyncset.done $0x0  }
.Ltmp2:
0x62: {  	[sflag:s11] =	ssyncadd.s32 $0xFFFF6000;
	(pc) =	sbr.rel @p0 .LBB2_1-.Ltmp2, $4  }
0x63: {  	[hbm4b:s8+s4] =	stream.linear.scatter [tilespmem:s10], [sflag:$0x3], $0xA000, $0x38;
	[tilespmem:$0x1D000] =	vst v63  }
0x64: {  	_ =	swait.ge [sflag:s11], $0xA000  }
0x65: {  	[sflag:s11] =	ssyncset.done $0x0  }
0x66: {  	[sflag:s11] =	ssyncadd.s32 $0xFFFF6000  }
0x67: {  	_ =	sfence.sel $0x180000  }
0x68: {  	[bflag:$0x0] =	sbarrier.arrive $0xFFFF  }
0x69: {  	p0 =	sne.s32 s0, $0x0;
	_ =	strace $0x9000004D  }
0x6a: {  	s0 =	sadd.s32 @!p0 $0x100000, s2;
	[bflag:$0x2] =	sbarrier.arrive $0xFFFF  }
0x6b: {  	[sflag:s0] =	ssyncadd.tile.s32 @!p0 $0x1;
	_ =	shalt  }
.Lfunc_end2:
_tile_overlayer_lowered:
.L_overlay_start_2:
0x6c: {  	(tag) =	ssettag $0x2  }
0x6d: {  	s0 =	rddreg [dreg:$0x0];
	s2 =	stileid.u32  }
0x6e: {  	s1 =	rddreg [dreg:$0x1];
	p0 =	sne.s32 s2, $0x0  }
0x6f: {  	s3 =	rddreg [dreg:$0x2];
	[bflag:$0x3] =	sbarrier.arrive $0xFFFF;
	s2 =	simm.s32 @!p0 $0x1C03  }
0x70: {  	[timem:s3], [sflag:s2] =	dma.local @!p0 [hbm:s0], s1  }
0x71: {  	s0 =	simm.s32 @!p0 $0x3  }
0x72: {  	_ =	swait.ge @!p0 [sflag:s0], s1  }
0x73: {  	s1 =	ssub.s32 @!p0 $0x0, s1;
	[sflag:s0] =	ssyncset.done @!p0 $0x0  }
0x74: {  	[sflag:s0] =	ssyncadd.s32 @!p0 s1  }
0x75: {  	[bflag:$0x3] =	sbarrier.arrive $0xFFFF  }
0x76: {  	_ =	shalt  }

// kernel: kernel.9.cloned.1.call-start
scs
__scs_entry_jumppad:
0x0: {  	(pc) =	sbr.rel $0x88, $3  }
0x1: {  	(tag) =	ssettag $0x0;
	lr =	simm.s32 $0x1  }
0x2: {  	[smem:$0x3F93] =	sst lr;
	_ =	strace $0xD0000000  }
0x3: {  	_ = 	snop  }
0x4: {  	_ = 	snop  }
0x5: {  	_ = 	snop  }
0x6: {  	_ = 	snop  }
0x7: {  	_ = 	snop  }
__scs_overlays_trampoline_lowered:
0x8: {  	[smem:$0x3FA2] =	sst s0  }
0x9: {  	[smem:$0x3FA3] =	sst s1  }
0xa: {  	[smem:$0x3FA4] =	sst s2  }
0xb: {  	[smem:$0x3FA5] =	sst s3  }
0xc: {  	[smem:$0x3FA6] =	sst s4  }
0xd: {  	[smem:$0x3FA7] =	sst s5  }
0xe: {  	[smem:$0x3FA8] =	sst s6  }
0xf: {  	[smem:$0x3FA9] =	sst s7  }
0x10: {  	[smem:$0x3FAA] =	sst s8  }
0x11: {  	[smem:$0x3FAB] =	sst s9;
	s0 =	simm.s32 @!p0 $0x0  }
0x12: {  	s1 =	sld [smem:$0x3F91];
	s0 =	simm.s32 @p0 $0x1  }
0x13: {  	[smem:$0x3FAC] =	sst s0;
	s0 =	simm.s32 @!p1 $0x0  }
0x14: {  	s2 =	sld [smem:$0x3F90];
	s0 =	simm.s32 @p1 $0x1  }
0x15: {  	[smem:$0x3FAD] =	sst s0;
	s0 =	simm.s32 @!p2 $0x0  }
0x16: {  	s3 =	sld [smem:$0x3FDB];
	s0 =	simm.s32 @p2 $0x1  }
0x17: {  	s4 =	simm.s32 $0x1BF5;
	[smem:$0x3FAF] =	sst s0  }
0x18: {  	s0 =	sld [smem:$0x3F92];
	_ =	swait.ge [sflag:s4], $0x0  }
0x19: {  	s7 =	sld [smem:$0x3F93]  }
0x1a: {  	s8 =	sadd.s32 $0xFFFFE003, lr  }
0x1b: {  	s9 =	sadd.s32 $0xFFFFFEF7, lr;
	s5 =	simm.s32 $0xFFFFFFFF;
	p2 =	slt.u32 s8, $0xFFFFF086  }
0x1c: {  	p1 =	slt.u32 s9, $0xF7A;
	s5 =	simm.s32 @!p2 $0x0  }
0x1d: {  	s5 =	simm.s32 @p1 $0x1;
	p0 =	seq.s32 s7, s2  }
0x1e: {  	s7 =	smul.u32 @!p0 $0xF7A, s2;
	p2 =	seq.s32 @!p0 s5, $0x0  }
0x1f: {  	s9 =	smul.u32 $0xF7A, s1;
	s8 =	simm.s32 @!p0 $0x1BF5;
	p2 =	por !p2, p0  }
0x20: {  	[sflag:s8] =	ssyncset.s32 @!p0 $0xFFFFF086;
	s6 =	sadd.s32 @!p0 s3, s7;
	s7 =	simm.s32 @!p0 $0x108  }
0x21: {  	s3 =	sadd.s32 s3, s9;
	s6 =	sadd.s32 @!p0 $0x88, s6;
	s7 =	simm.s32 @p2 $0x1082  }
0x22: {  	[simem:s7], [sflag:s8] =	dma.local @!p0 [hbm:s6], $0xF7A  }
0x23: {  	s9 =	sor.u32 $0xD0000000, s2;
	s6 =	simm.s32 $0x108;
	_ =	swait.ge @!p0 [sflag:s8], $0x0  }
0x24: {  	s3 =	sadd.s32 $0x88, s3;
	s6 =	simm.s32 @!p1 $0x1082;
	[sflag:s4] =	ssyncset.s32 $0xFFFFF086  }
0x25: {  	[simem:s6], [sflag:s4] =	dma.local [hbm:s3], $0xF7A  }
0x26: {  	[smem:$0x3F93] =	sst s1;
	(tag) =	ssettag s2;
	_ =	strace s9  }
0x27: {  	s1 =	sld [smem:$0x3FA3]  }
0x28: {  	s2 =	sld [smem:$0x3FA4]  }
0x29: {  	s4 =	sld [smem:$0x3FA6]  }
0x2a: {  	p0 =	seq.s32 s5, $0x0;
	s5 =	sld [smem:$0x3FA7]  }
0x2b: {  	s6 =	sld [smem:$0x3FA8]  }
0x2c: {  	s7 =	sld [smem:$0x3FA9]  }
0x2d: {  	s3 =	simm.s32 $0x108;
	s8 =	sld [smem:$0x3FAA]  }
0x2e: {  	s3 =	simm.s32 @!p0 $0x1082;
	s9 =	sld [smem:$0x3FAB]  }
0x2f: {  	lr =	sadd.s32 s0, s3;
	s0 =	sld [smem:$0x3FA2]  }
0x30: {  	s3 =	sld [smem:$0x3FA5]  }
0x31: {  	[smem:$0x3FAE] =	sst s10  }
0x32: {  	s10 =	sld [smem:$0x3FAC];
	_ =	sdelay $0x3  }
0x33: {  	p0 =	seq.s32 s10, $0x1;
	s10 =	sld [smem:$0x3FAE];
	_ =	sdelay $0x3  }
0x34: {  	[smem:$0x3FAE] =	sst s10  }
0x35: {  	s10 =	sld [smem:$0x3FAD];
	_ =	sdelay $0x3  }
0x36: {  	p1 =	seq.s32 s10, $0x1;
	s10 =	sld [smem:$0x3FAE];
	_ =	sdelay $0x3  }
0x37: {  	[smem:$0x3FAE] =	sst s10  }
0x38: {  	s10 =	sld [smem:$0x3FAF]  }
0x39: {  	_ = 	snop;
	(pc) =	sbr.ind lr, $3  }
0x3a: {  	_ = 	snop  }
0x3b: {  	_ = 	snop  }
0x3c: {  	p2 =	seq.s32 s10, $0x1;
	s10 =	sld [smem:$0x3FAE]  }
0x3d: {  	_ =	shalt  }
0x3e: {  	_ =	shalt  }
0x3f: {  	_ =	shalt  }
0x40: {  	_ =	shalt  }
0x41: {  	_ =	shalt  }
0x42: {  	_ =	shalt  }
0x43: {  	_ =	shalt  }
0x44: {  	_ =	shalt  }
0x45: {  	_ =	shalt  }
0x46: {  	_ =	shalt  }
0x47: {  	_ =	shalt  }
0x48: {  	_ =	shalt  }
0x49: {  	_ =	shalt  }
0x4a: {  	_ =	shalt  }
0x4b: {  	_ =	shalt  }
0x4c: {  	_ =	shalt  }
0x4d: {  	_ =	shalt  }
0x4e: {  	_ =	shalt  }
0x4f: {  	_ =	shalt  }
0x50: {  	_ =	shalt  }
0x51: {  	_ =	shalt  }
0x52: {  	_ =	shalt  }
0x53: {  	_ =	shalt  }
0x54: {  	_ =	shalt  }
0x55: {  	_ =	shalt  }
0x56: {  	_ =	shalt  }
0x57: {  	_ =	shalt  }
0x58: {  	_ =	shalt  }
0x59: {  	_ =	shalt  }
0x5a: {  	_ =	shalt  }
0x5b: {  	_ =	shalt  }
0x5c: {  	_ =	shalt  }
0x5d: {  	_ =	shalt  }
0x5e: {  	_ =	shalt  }
0x5f: {  	_ =	shalt  }
0x60: {  	_ =	shalt  }
0x61: {  	_ =	shalt  }
0x62: {  	_ =	shalt  }
0x63: {  	_ =	shalt  }
0x64: {  	_ =	shalt  }
0x65: {  	_ =	shalt  }
0x66: {  	_ =	shalt  }
0x67: {  	_ =	shalt  }
0x68: {  	_ =	shalt  }
0x69: {  	_ =	shalt  }
0x6a: {  	_ =	shalt  }
0x6b: {  	_ =	shalt  }
0x6c: {  	_ =	shalt  }
0x6d: {  	_ =	shalt  }
0x6e: {  	_ =	shalt  }
0x6f: {  	_ =	shalt  }
0x70: {  	_ =	shalt  }
0x71: {  	_ =	shalt  }
0x72: {  	_ =	shalt  }
0x73: {  	_ =	shalt  }
0x74: {  	_ =	shalt  }
0x75: {  	_ =	shalt  }
0x76: {  	_ =	shalt  }
0x77: {  	_ =	shalt  }
0x78: {  	_ =	shalt  }
0x79: {  	_ =	shalt  }
0x7a: {  	_ =	shalt  }
0x7b: {  	_ =	shalt  }
0x7c: {  	_ =	shalt  }
0x7d: {  	_ =	shalt  }
0x7e: {  	_ =	shalt  }
0x7f: {  	_ =	shalt  }
0x80: {  	_ =	shalt  }
0x81: {  	_ =	shalt  }
0x82: {  	_ =	shalt  }
0x83: {  	_ =	shalt  }
0x84: {  	_ =	shalt  }
0x85: {  	_ =	shalt  }
0x86: {  	_ =	shalt  }
0x87: {  	_ =	shalt  }
.Lfunc_end0:
.L_simem_size_0:
called_computation_lowered:
.L_overlay_start_0:
0x88: {  	s2 =	sld [smem:$0x3FD9]  }
0x89: {  	s3 =	sld [smem:$0x3FFE];
	_ =	sdelay $0x1  }
0x8a: {  	s1 =	srdreg.scid  }
0x8b: {  	s0 =	sand.u32 $0x1, s1  }
0x8c: {  	s17 =	sshll.u32 s0, $0xA;
	s2 =	sadd.s32 s3, s2  }
0x8d: {  	s2 =	sadd.s32 s2, s17  }
0x8e: {  	[smem:$0x3FBA] =	sst s2  }
0x8f: {  	_ = 	snop  }
0x90: {  	s2 =	sld [smem:$0x3FD0];
	(tm) =	ssettm $0x1  }
0x91: {  	s18 =	sld [smem:$0x3FFB];
	_ =	sdelay $0x3  }
0x92: {  	_ =	strace s18  }
0x93: {  	s3 =	sld [smem:$0x3FFC];
	_ =	sdelay $0x3  }
0x94: {  	_ =	strace s3  }
0x95: {  	s3 =	sld [smem:$0x3FFD];
	_ =	sdelay $0x3  }
0x96: {  	_ =	strace s3  }
0x97: {  	_ =	strace $0x8FFFFFFF  }
0x98: {  	s19 =	sld [smem:$0x3FDB];
	_ =	sdelay $0x1  }
0x99: {  	s4 =	simm.s32 $_scs_section_size  }
0x9a: {  	s5 =	simm.s32 $_size__tile_overlayer_lowered;
	s6 =	simm.s32 $_tile_overlayer_lowered  }
0x9b: {  	s22 =	simm.s32 $0x1BFF;
	s21 =	sshll.u32 s6, $0x1;
	s3 =	sadd.s32 s4, s19  }
0x9c: {  	s7 =	simm.s32 $0x0;
	s20 =	sshll.u32 s5, $0x1;
	s5 =	sadd.s32 s21, s3  }
0x9d: {  	[timem:s7], [sflag:s22] =	dma.local [hbm:s5], s20  }
0x9e: {  	_ =	swait.ge [sflag:s22], s20  }
0x9f: {  	s4 =	ssub.s32 $0x0, s20;
	[sflag:s22] =	ssyncset.done $0x0  }
0xa0: {  	[sflag:s22] =	ssyncadd.s32 s4;
	_ =	sdelay $0x1  }
0xa1: {  	s23 =	simm.s32 $0x1B8B  }
0xa2: {  	_ =	swait.ge [sflag:s23], $0x1  }
0xa3: {  	[sflag:s23] =	ssyncset.done $0x0  }
0xa4: {  	s25 =	simm.s32 $0x1B8E;
	s24 =	sld [smem:$0x3FFE];
	[sflag:s23] =	ssyncadd.s32 $0xFFFFFFFF  }
0xa5: {  	s26 =	simm.s32 $execute0_lowered;
	[smem:$0x3FD2] =	sst s25  }
0xa6: {  	s5 =	sshll.u32 s26, $0x1;
	_ =	strace $0x80000046;
	[dreg:$0x1] =	wrdreg $0xFFFFFFFF  }
0xa7: {  	s28 =	simm.s32 $_size_execute0_lowered;
	s3 =	sadd.s32 s3, s5;
	[dreg:$0x0] =	wrdreg $0x0  }
0xa8: {  	s5 =	sshll.u32 s28, $0x1;
	[dreg:$0x2] =	wrdreg s3  }
0xa9: {  	[dreg:$0x3] =	wrdreg s5  }
0xaa: {  	[dreg:$0x4] =	wrdreg $0xC0  }
0xab: {  	_ =	task [dreg:s7], $0x5FFFF  }
0xac: {  	[dreg:$0x1] =	wrdreg $0xFFFFFFFF  }
0xad: {  	[dreg:$0x0] =	wrdreg $0x60  }
0xae: {  	[dreg:$0x2] =	wrdreg s24  }
0xaf: {  	[dreg:$0x3] =	wrdreg s2  }
0xb0: {  	[dreg:$0x4] =	wrdreg $0x58000  }
0xb1: {  	[dreg:$0x5] =	wrdreg $0x9  }
0xb2: {  	_ =	task.clear_ibuf [dreg:s7], $0x6FFFF;
	_ =	strace $0x90000046  }
0xb3: {  	s29 =	simm.s32 $0x9;
	_ =	strace $0x80000048  }
0xb4: {  	_ =	swait.ge [sflag:s29], $0x1  }
0xb5: {  	[sflag:s29] =	ssyncadd.s32 $0xFFFFFFFF  }
0xb6: {  	_ =	strace $0x90000048  }
0xb7: {  	_ =	sfence  }
0xb8: {  	s30 =	sld [smem:$0x0];
	_ =	sdelay $0x2  }
0xb9: {  	s31 =	sshll.u32 s1, $0xD;
	s1 =	sshrl.u32 s1, $0x2  }
0xba: {  	s3 =	sand.u32 $0x4000, s31;
	s1 =	sadd.s32 s1, s30  }
0xbb: {  	s0 =	sor.u32 s3, s0;
	s1 =	sshll.u32 s1, $0x11  }
0xbc: {  	s0 =	sor.u32 s1, s0  }
0xbd: {  	s0 =	sadd.s32 $0x8F2B, s0  }
0xbe: {  	[sflag:s0] =	ssyncadd.remote.s32 $0x1  }
0xbf: {  	_ =	sfence.sel $0xFFFF  }
0xc0: {  	[dreg:$0x0] =	wrdreg $0xFFFFFFFF;
	(pc) =	sbr.abs _section_cstart, $3  }
0xc1: {  	[dreg:$0x1] =	wrdreg $0xFFFFFFFF  }
0xc2: {  	_ =	task.clear_ibuf [dreg:s7], $0x2FFFF;
	_ =	strace $0x9FFFFFFF  }
0xc3: {  	(tm) =	ssettm $0x7FFFFFFF  }
tec
execute0_lowered:
.L_overlay_start_1:
0x0: {  	(tag) =	ssettag $0x1  }
0x1: {  	s4 =	rddreg [dreg:$0x0]  }
0x2: {  	s6 =	rddreg [dreg:$0x1];
	s0 =	srdreg.scid  }
0x3: {  	s2 =	rddreg [dreg:$0x2];
	s1 =	stileid.u32;
	s3 =	simm.s32 $0x0  }
0x4: {  	s11 =	simm.s32 $0x2800;
	s12 =	simm.s32 $0x0;
	s5 =	sand.u32 $0x1, s0  }
0x5: {  	s0 =	rddreg [dreg:$0x3];
	s8 =	smul.u32 $0x2800, s1;
	s7 =	sshll.u32 s5, $0x4  }
0x6: {  	s9 =	smul.u32 $0x28000, s5;
	s5 =	ssub.s32 $0x2, s5;
	s7 =	sor.u32 s1, s7  }
0x7: {  	[smem:$0x7FF] =	sst s3;
	s10 =	sshrl.u32 s5, $0x1;
	s7 =	smul.u32 $0x500, s7  }
0x8: {  	_ =	strace $0x80000047;
	s9 =	sadd.s32 s8, s9;
	s10 =	ssub.s32 s5, s10  }
0x9: {  	s9 =	sshrl.u32 s9, $0x3;
	s7 =	sadd.s32 s7, s4;
	s4 =	sadd.s32 s8, s2  }
0xa: {  	s6 =	sadd.s32 s6, s9;
	s8 =	simm.s32 $0x3000;
	s9 =	simm.s32 $0x1  }
0xb: {  	v0 =	vimm.f32 $1.000000000e+00;
	v1 =	vimm.f32 $0.0e+00;
	s5 =	sadd.s32 $0x2C00, s7;
	s7 =	smax.u32 s10, $0x1;
	s10 =	simm.s32 $0x80  }
.LBB2_1:
0xc: {  	s13 =	simm.s32 $0x0  }
.LBB2_2:
0xd: {  	p0 =	sne.s32 s13, $0x1FC0  }
.Ltmp0:
0xe: {  	_ = 	snop;
	(pc) =	sbr.rel @p0 .LBB2_2-.Ltmp0, $3  }
0xf: {  	_ =	sdelay $0x1  }
0x10: {  	s14 =	sshra.s32 s13, $0x2  }
0x11: {  	s13 =	sadd.s32 $0x40, s13;
	[tilespmem:s14+$0x2800] =	vst v0  }
0x12: {  	s13 =	simm.s32 $0x40;
	s14 =	simm.s32 $0x0  }
.LBB2_4:
0x13: {  	p0 =	sne.s32 s13, $0x9FC0;
	[tilespmem:s14+$0x3000] =	vst v1;
	s14 =	smov.u32 s13;
	s13 =	sadd.s32 $0x40, s13  }
.Ltmp1:
0x14: {  	(pc) =	sbr.rel @p0 .LBB2_4-.Ltmp1, $2  }
0x15: {  	_ =	sdelay $0x2  }
0x16: {  	s14 =	sshra.s32 s14, $0x2  }
0x17: {  	[tilespmem:s14+$0x3000] =	vst v1  }
0x18: {  	[spmem:s4] =	stream.linear.scatter [tilespmem:s8], [sflag:$0x1], $0x2800, $0x38;
	[tilespmem:$0x8000] =	vst v63  }
0x19: {  	_ =	swait.ge [sflag:s9], $0x2800  }
0x1a: {  	[sflag:s9] =	ssyncset.done $0x0  }
0x1b: {  	[sflag:s9] =	ssyncadd.s32 $0xFFFFD800  }
0x1c: {  	s13 =	simm.s32 $0x0;
	[bflag:$0x0] =	sbarrier.arrive $0xFFFF  }
0x1d: {  	[tilespmem:s13], [sflag:$0x1] =	stream.linear.gather [hbm4b:s5+s13], $0x2800, $0x38;
	[tilespmem:$0x8000] =	vst v63  }
0x1e: {  	_ =	swait.ge [sflag:s9], $0x2800  }
0x1f: {  	[sflag:s9] =	ssyncset.done $0x0  }
0x20: {  	s31 =	simm.s32 $0x0;
	[sflag:s9] =	ssyncadd.s32 $0xFFFFD800  }
0x21: {  	[spmem:s2] =	stream.indirect.scatter.add.f32 [tilespmem:s11], [sflag:$0x1], $0x10, s31, s10, $0xb8;
	[tilespmem:$0x8000] =	vst v63  }
0x22: {  	_ =	swait.ge [sflag:s9], $0x800  }
0x23: {  	s13 =	simm.s32 $0x200;
	[sflag:s9] =	ssyncset.done $0x0  }
.LBB2_6:
0x24: {  	s14 =	sshra.s32 s13, $0x2;
	[sflag:s9] =	ssyncadd.s32 $0xFFFFF800;
	p0 =	sne.s32 s13, $0x9E00  }
0x25: {  	[spmem:s2] =	stream.indirect.scatter.add.f32 [tilespmem:s11], [sflag:$0x1], $0x10, s14, s10, $0xb8;
	[tilespmem:$0x8000] =	vst v63  }
.Ltmp2:
0x26: {  	_ = 	snop;
	(pc) =	sbr.rel @p0 .LBB2_6-.Ltmp2, $4  }
0x27: {  	_ = 	snop  }
0x28: {  	s13 =	sadd.s32 $0x200, s13  }
0x29: {  	_ =	swait.ge [sflag:s9], $0x800  }
0x2a: {  	[sflag:s9] =	ssyncset.done $0x0  }
0x2b: {  	[sflag:s9] =	ssyncadd.s32 $0xFFFFF800  }
0x2c: {  	[bflag:$0x0] =	sbarrier.arrive $0xFFFF  }
0x2d: {  	[tilespmem:s8], [sflag:$0x1] =	stream.linear.gather [spmem:s4], $0x2800, $0x38;
	[tilespmem:$0x8000] =	vst v63  }
0x2e: {  	s12 =	sadd.s32 $0x1, s12;
	_ =	swait.ge [sflag:s9], $0x2800  }
0x2f: {  	p0 =	sne.s32 s12, s7;
	[sflag:s9] =	ssyncset.done $0x0  }
.Ltmp3:
0x30: {  	[sflag:s9] =	ssyncadd.s32 $0xFFFFD800;
	(pc) =	sbr.rel @p0 .LBB2_1-.Ltmp3, $4  }
0x31: {  	[hbm4b:s6+s3] =	stream.linear.scatter [tilespmem:s8], [sflag:$0x1], $0x2800, $0x38;
	[tilespmem:$0x8000] =	vst v63  }
0x32: {  	_ =	swait.ge [sflag:s9], $0x2800  }
0x33: {  	[sflag:s9] =	ssyncset.done $0x0  }
0x34: {  	[sflag:s9] =	ssyncadd.s32 $0xFFFFD800  }
0x35: {  	_ =	sfence.sel $0x180000  }
0x36: {  	[bflag:$0x0] =	sbarrier.arrive $0xFFFF  }
0x37: {  	p0 =	sne.s32 s1, $0x0;
	_ =	strace $0x90000047  }
0x38: {  	s0 =	sadd.s32 @!p0 $0x100000, s0;
	[bflag:$0x2] =	sbarrier.arrive $0xFFFF  }
0x39: {  	[sflag:s0] =	ssyncadd.tile.s32 @!p0 $0x1;
	_ =	shalt  }
.Lfunc_end2:
_tile_overlayer_lowered:
.L_overlay_start_2:
0x3a: {  	(tag) =	ssettag $0x2  }
0x3b: {  	s0 =	rddreg [dreg:$0x0];
	s2 =	stileid.u32  }
0x3c: {  	s1 =	rddreg [dreg:$0x1];
	p0 =	sne.s32 s2, $0x0  }
0x3d: {  	s3 =	rddreg [dreg:$0x2];
	[bflag:$0x3] =	sbarrier.arrive $0xFFFF;
	s2 =	simm.s32 @!p0 $0x1C01  }
0x3e: {  	[timem:s3], [sflag:s2] =	dma.local @!p0 [hbm:s0], s1  }
0x3f: {  	s0 =	simm.s32 @!p0 $0x1  }
0x40: {  	_ =	swait.ge @!p0 [sflag:s0], s1  }
0x41: {  	s1 =	ssub.s32 @!p0 $0x0, s1;
	[sflag:s0] =	ssyncset.done @!p0 $0x0  }
0x42: {  	[sflag:s0] =	ssyncadd.s32 @!p0 s1  }
0x43: {  	[bflag:$0x3] =	sbarrier.arrive $0xFFFF  }
0x44: {  	_ =	shalt  }

</sc_bundles>
